<compile_context>
chip_gen: v7x
topology: tpu7x:2x2x1
jax: 0.10.2.dev20260603
libtpu: 0.0.44.dev20260713+nightly
codegen_flags: <defaults>
</compile_context>

<pallas_src>
import functools

import jax
import jax.numpy as jnp
from jax import lax
from jax.experimental import pallas as pl
from jax.experimental.pallas import tpu as pltpu
from jax.experimental.pallas import tpu_sc as plsc

_NC = 2
_NS = 16
_NW = _NC * _NS
_NBUF = 4
_HK = 8


def _gather_kernel(per_w, C, n_full, tail, n_rows, x_hbm, idx_hbm, out_hbm,
                   table_sh, idx_v, rows_v, sems_in, sems_out, sem_stage):
    n_chunks = n_full + (1 if tail else 0)
    cid = lax.axis_index("c")
    sid = lax.axis_index("s")
    wid = sid * _NC + cid
    base = wid * per_w

    stage_rows = (n_rows // _NS) // 8 * 8
    rem_rows = n_rows - stage_rows * _NS
    pltpu.async_copy(x_hbm.at[pl.ds(sid * stage_rows, stage_rows)],
                     table_sh.at[pl.ds(sid * stage_rows, stage_rows)],
                     sem_stage)
    if rem_rows:
        @pl.when(sid == _NS - 1)
        def _():
            pltpu.async_copy(
                x_hbm.at[pl.ds(stage_rows * _NS, rem_rows)],
                table_sh.at[pl.ds(stage_rows * _NS, rem_rows)], sem_stage)
    pltpu.sync_copy(idx_hbm.at[pl.ds(base, per_w)], idx_v)

    def g_copy(g, b, start, sz=C, hbm=False):
        src = x_hbm if hbm else table_sh
        cp = pltpu.make_async_copy(src.at[idx_v.at[pl.ds(g * C, sz)]],
                                   rows_v.at[b].at[pl.ds(0, sz)], sems_in[b])
        cp.start() if start else cp.wait()

    def s_copy(g, b, start, sz=C):
        cp = pltpu.make_async_copy(rows_v.at[b].at[pl.ds(0, sz)],
                                   out_hbm.at[pl.ds(base + g * C, sz)],
                                   sems_out[b])
        cp.start() if start else cp.wait()

    def size_of(g):
        return tail if (tail and g == n_chunks - 1) else C

    def step(g, slot, do_wait_s, do_fire_g, sz=C, sz_prev=C, sz_next=C,
             hbm=False, hbm_next=False):
        if do_wait_s:
            s_copy(g - 2, (slot + 2) % _NBUF, False, sz_prev)
        if do_fire_g:
            g_copy(g + 2, (slot + 2) % _NBUF, True, sz_next, hbm_next)
        g_copy(g, slot, False, sz, hbm)
        s_copy(g, slot, True, sz)

    g_copy(0, 0, True, size_of(0), True)
    g_copy(1, 1, True, size_of(1), True)
    step(0, 0, False, True, size_of(0), C, size_of(2), True, True)
    step(1, 1, False, True, size_of(1), C, size_of(3), True, True)
    for g in range(2, _HK):
        if g == _HK - 2:
            pltpu.make_async_copy(
                x_hbm.at[pl.ds(sid * stage_rows, stage_rows)],
                table_sh.at[pl.ds(sid * stage_rows, stage_rows)],
                sem_stage).wait()
            if rem_rows:
                @pl.when(sid == _NS - 1)
                def _():
                    pltpu.make_async_copy(
                        x_hbm.at[pl.ds(stage_rows * _NS, rem_rows)],
                        table_sh.at[pl.ds(stage_rows * _NS, rem_rows)],
                        sem_stage).wait()
            plsc.subcore_barrier()
        step(g, g % _NBUF, True, True, hbm=(g < _HK), hbm_next=(g + 2 < _HK))

    n_main = max(0, (n_chunks - _HK - 3) // _NBUF)
    while _HK + _NBUF * n_main + 2 > n_full:
        n_main -= 1

    def body(g4, _):
        g = _HK + g4 * _NBUF
        for j in range(_NBUF):
            step(g + j, (_HK + j) % _NBUF, True, True)
        return ()

    lax.fori_loop(0, n_main, body, (), unroll=False)

    for g in range(_HK + n_main * _NBUF, n_chunks):
        step(g, g % _NBUF, True, g + 2 < n_chunks,
             size_of(g), C, size_of(g + 2))
    for g in range(n_chunks - 2, n_chunks):
        s_copy(g, g % _NBUF, False, size_of(g))


def kernel(x, seed_inverse_ids):
    T = seed_inverse_ids.shape[0]
    D = x.shape[1]
    per_w = T // _NW
    C = 80
    n_rows = x.shape[0]
    n_full = per_w // C
    tail = per_w - n_full * C
    assert per_w * _NW == T and tail % 8 == 0 and n_full > _HK + 3
    assert n_rows % 8 == 0

    run = pl.kernel(
        functools.partial(_gather_kernel, per_w, C, n_full, tail, n_rows),
        out_type=jax.ShapeDtypeStruct((T, D), jnp.float32),
        mesh=plsc.VectorSubcoreMesh(core_axis_name="c", subcore_axis_name="s"),
        scratch_types=[
            pltpu.VMEM_SHARED((n_rows, D), jnp.float32),
            pltpu.VMEM((per_w,), jnp.int32),
            pltpu.VMEM((_NBUF, C, D), jnp.float32),
            [pltpu.SemaphoreType.DMA] * _NBUF,
            [pltpu.SemaphoreType.DMA] * _NBUF,
            pltpu.SemaphoreType.DMA,
        ],
    )
    return run(x, seed_inverse_ids)

# --- scband reference (transcript-rebuilt; emitter-appended) ---
"""Pipeline reference for scband-cooperative-conv-30829275251310 (READ-ONLY COPY).

The authoritative reference and input builder live on the scoring server;
editing this copy changes nothing except your own understanding.
"""

import jax, jax.numpy as jnp
import numpy as np

N_SEEDS = 10000
T = 320000
D = 128

def setup_inputs(seed: int = 0) -> dict:
    key = jax.random.key(seed)
    k1, k2 = jax.random.split(key)
    x = jax.random.normal(k1, (N_SEEDS, D), dtype=jnp.float32)
    seed_inverse_ids = jax.random.randint(k2, (T,), 0, N_SEEDS, dtype=jnp.int32)
    return {"x": x, "seed_inverse_ids": seed_inverse_ids}

def reference(x, seed_inverse_ids):
    # CooperativeConvFunction.forward on a single rank:
    # counts_sent == counts_received == [T]; all_to_all over one rank is an
    # identity copy, so the op reduces to the duplicating gather
    # out = h[seed_inverse_ids].
    out = jnp.take(x, seed_inverse_ids, axis=0)
    return out

if __name__ == "__main__":
    import jax
    _d = setup_inputs()
    print(jax.jit(kernel)(*tuple(_d.values())))

</pallas_src>

<mosaic_0001>
#map = affine_map<(d0, d1) -> (0, 0)>
#map1 = affine_map<(d0, d1) -> (0)>
module attributes {stable_mosaic.version = 14 : i64} {
  func.func @_gather_kernel(%arg0: i32, %arg1: i32, %arg2: memref<10000x128xf32, #tpu.memory_space<hbm>>, %arg3: memref<320000xi32, #tpu.memory_space<hbm>>, %arg4: memref<320000x128xf32, #tpu.memory_space<hbm>>, %arg5: memref<10000x128xf32, #tpu.memory_space<vmem_shared>>, %arg6: memref<10000xi32, #tpu.memory_space<vmem>>, %arg7: memref<4x80x128xf32, #tpu.memory_space<vmem>>, %arg8: memref<!tpu.dma_semaphore, #tpu.memory_space<semaphore_mem>>, %arg9: memref<!tpu.dma_semaphore, #tpu.memory_space<semaphore_mem>>, %arg10: memref<!tpu.dma_semaphore, #tpu.memory_space<semaphore_mem>>, %arg11: memref<!tpu.dma_semaphore, #tpu.memory_space<semaphore_mem>>, %arg12: memref<!tpu.dma_semaphore, #tpu.memory_space<semaphore_mem>>, %arg13: memref<!tpu.dma_semaphore, #tpu.memory_space<semaphore_mem>>, %arg14: memref<!tpu.dma_semaphore, #tpu.memory_space<semaphore_mem>>, %arg15: memref<!tpu.dma_semaphore, #tpu.memory_space<semaphore_mem>>, %arg16: memref<!tpu.dma_semaphore, #tpu.memory_space<semaphore_mem>>) attributes {dimension_semantics = [#tpu.dimension_semantics<core_parallel>, #tpu.dimension_semantics<subcore_parallel>], iteration_bounds = array<i64: 2, 16>, scalar_prefetch = 0 : i64, scratch_operands = 12 : i64, tpu.core_type = #tpu.core_type<sc_vector_subcore>, window_params = [{transform_indices = #map}, {transform_indices = #map1}, {transform_indices = #map}]} {
    %mul3A = arith.constant 2 : i32
    %mul3A_0 = arith.muli %arg1, %mul3A : i32
    %add3A = arith.addi %mul3A_0, %arg0 : i32
    %mul3A_1 = arith.constant 10000 : i32
    %mul3A_2 = arith.muli %add3A, %mul3A_1 : i32
    %mul3A_3 = arith.constant 624 : i32
    %mul3A_4 = arith.muli %arg1, %mul3A_3 : i32
    %mul3A_5 = arith.constant 624 : i32
    %mul3A_6 = arith.muli %arg1, %mul3A_5 : i32
    %dma_start3A = arith.constant 0 : i32
    %dma_start3A_7 = tpu.memref_slice %arg5[%mul3A_6, %dma_start3A] : memref<10000x128xf32, #tpu.memory_space<vmem_shared>> -> memref<624x128xf32, #tpu.memory_space<vmem_shared>>
    %dma_start3A_8 = arith.constant 0 : i32
    %dma_start3A_9 = tpu.memref_slice %arg2[%mul3A_4, %dma_start3A_8] : memref<10000x128xf32, #tpu.memory_space<hbm>> -> memref<624x128xf32, #tpu.memory_space<hbm>>
    tpu.enqueue_dma source(%dma_start3A_9 : memref<624x128xf32, #tpu.memory_space<hbm>>) target(%dma_start3A_7 : memref<624x128xf32, #tpu.memory_space<vmem_shared>>) target_semaphore(%arg16 : memref<!tpu.dma_semaphore, #tpu.memory_space<semaphore_mem>>)
    %eq3A = arith.constant 15 : i32
    %eq3A_10 = arith.cmpi eq, %arg1, %eq3A : i32
    %convert_element_type3A = arith.extui %eq3A_10 : i1 to i32
    %cond3A = arith.constant 0 : i32
    %cond3A_11 = arith.cmpi ne, %convert_element_type3A, %cond3A : i32
    scf.if %cond3A_11 {
      %dma_start3A_912 = arith.constant 9984 : i32
      %dma_start3A_913 = arith.constant 0 : i32
      %dma_start3A_914 = tpu.memref_slice %arg5[%dma_start3A_912, %dma_start3A_913] : memref<10000x128xf32, #tpu.memory_space<vmem_shared>> -> memref<16x128xf32, #tpu.memory_space<vmem_shared>>
      %dma_start3A_915 = arith.constant 9984 : i32
      %dma_start3A_916 = arith.constant 0 : i32
      %dma_start3A_917 = tpu.memref_slice %arg2[%dma_start3A_915, %dma_start3A_916] : memref<10000x128xf32, #tpu.memory_space<hbm>> -> memref<16x128xf32, #tpu.memory_space<hbm>>
      tpu.enqueue_dma source(%dma_start3A_917 : memref<16x128xf32, #tpu.memory_space<hbm>>) target(%dma_start3A_914 : memref<16x128xf32, #tpu.memory_space<vmem_shared>>) target_semaphore(%arg16 : memref<!tpu.dma_semaphore, #tpu.memory_space<semaphore_mem>>)
    } else {
    }
    "tpu.region"() ({
      %run_scoped3A = tpu.sem_alloc : memref<!tpu.dma_semaphore, #tpu.memory_space<semaphore_mem>>
      %dma_start3A_912 = tpu.memref_slice %arg3[%mul3A_2] : memref<320000xi32, #tpu.memory_space<hbm>> -> memref<10000xi32, #tpu.memory_space<hbm>>
      %dma_start3A_913 = tpu.memref_slice %arg3[%mul3A_2] : memref<320000xi32, #tpu.memory_space<hbm>> -> memref<10000xi32, #tpu.memory_space<hbm>>
      tpu.enqueue_dma source(%dma_start3A_913 : memref<10000xi32, #tpu.memory_space<hbm>>) target(%arg6 : memref<10000xi32, #tpu.memory_space<vmem>>) target_semaphore(%run_scoped3A : memref<!tpu.dma_semaphore, #tpu.memory_space<semaphore_mem>>)
      %dma_wait3A_914 = tpu.memref_slice %arg3[%mul3A_2] : memref<320000xi32, #tpu.memory_space<hbm>> -> memref<10000xi32, #tpu.memory_space<hbm>>
      %dma_wait3A_915 = tpu.memref_slice %arg3[%mul3A_2] : memref<320000xi32, #tpu.memory_space<hbm>> -> memref<10000xi32, #tpu.memory_space<hbm>>
      tpu.wait_dma2 semaphore(%run_scoped3A : memref<!tpu.dma_semaphore, #tpu.memory_space<semaphore_mem>>) src(%dma_wait3A_915 : memref<10000xi32, #tpu.memory_space<hbm>>) dst(%arg6 : memref<10000xi32, #tpu.memory_space<vmem>>)
      tpu.yield
    }) : () -> ()
    %dma_start3A_12 = arith.constant 0 : i32
    %dma_start3A_13 = arith.constant 0 : i32
    %dma_start3A_14 = arith.constant 0 : i32
    %dma_start3A_15 = tpu.memref_slice %arg7[%dma_start3A_12, %dma_start3A_13, %dma_start3A_14] : memref<4x80x128xf32, #tpu.memory_space<vmem>> -> memref<1x80x128xf32, #tpu.memory_space<vmem>>
    %dma_start3A_16 = tpu.memref_squeeze %dma_start3A_15 : memref<1x80x128xf32, #tpu.memory_space<vmem>> -> memref<80x128xf32, #tpu.memory_space<vmem>>
    %dma_start3A_17 = arith.constant 0 : i32
    %dma_start3A_18 = arith.constant 0 : i32
    %dma_start3A_19 = tpu.memref_slice %dma_start3A_16[%dma_start3A_17, %dma_start3A_18] : memref<80x128xf32, #tpu.memory_space<vmem>> -> memref<80x128xf32, #tpu.memory_space<vmem>>
    %dma_start3A_20 = arith.constant 0 : i32
    %dma_start3A_21 = tpu.memref_slice %arg6[%dma_start3A_20] : memref<10000xi32, #tpu.memory_space<vmem>> -> memref<80xi32, #tpu.memory_space<vmem>>
    %dma_start3A_22 = arith.constant 0 : i32
    %dma_start3A_23 = arith.constant 0 : i32
    %dma_start3A_24 = tpu.memref_slice %arg2[%dma_start3A_22, %dma_start3A_23] : memref<10000x128xf32, #tpu.memory_space<hbm>> -> memref<10000x128xf32, #tpu.memory_space<hbm>>
    tpu.enqueue_indirect_dma source(%dma_start3A_24 : memref<10000x128xf32, #tpu.memory_space<hbm>>) target(%dma_start3A_19 : memref<80x128xf32, #tpu.memory_space<vmem>>) offsets(%dma_start3A_21 : memref<80xi32, #tpu.memory_space<vmem>>) semaphore(%arg8 : memref<!tpu.dma_semaphore, #tpu.memory_space<semaphore_mem>>)
    %dma_start3A_25 = arith.constant 1 : i32
    %dma_start3A_26 = arith.constant 0 : i32
    %dma_start3A_27 = arith.constant 0 : i32
    %dma_start3A_28 = tpu.memref_slice %arg7[%dma_start3A_25, %dma_start3A_26, %dma_start3A_27] : memref<4x80x128xf32, #tpu.memory_space<vmem>> -> memref<1x80x128xf32, #tpu.memory_space<vmem>>
    %dma_start3A_29 = tpu.memref_squeeze %dma_start3A_28 : memref<1x80x128xf32, #tpu.memory_space<vmem>> -> memref<80x128xf32, #tpu.memory_space<vmem>>
    %dma_start3A_30 = arith.constant 0 : i32
    %dma_start3A_31 = arith.constant 0 : i32
    %dma_start3A_32 = tpu.memref_slice %dma_start3A_29[%dma_start3A_30, %dma_start3A_31] : memref<80x128xf32, #tpu.memory_space<vmem>> -> memref<80x128xf32, #tpu.memory_space<vmem>>
    %dma_start3A_33 = arith.constant 80 : i32
    %dma_start3A_34 = tpu.memref_slice %arg6[%dma_start3A_33] : memref<10000xi32, #tpu.memory_space<vmem>> -> memref<80xi32, #tpu.memory_space<vmem>>
    %dma_start3A_35 = arith.constant 0 : i32
    %dma_start3A_36 = arith.constant 0 : i32
    %dma_start3A_37 = tpu.memref_slice %arg2[%dma_start3A_35, %dma_start3A_36] : memref<10000x128xf32, #tpu.memory_space<hbm>> -> memref<10000x128xf32, #tpu.memory_space<hbm>>
    tpu.enqueue_indirect_dma source(%dma_start3A_37 : memref<10000x128xf32, #tpu.memory_space<hbm>>) target(%dma_start3A_32 : memref<80x128xf32, #tpu.memory_space<vmem>>) offsets(%dma_start3A_34 : memref<80xi32, #tpu.memory_space<vmem>>) semaphore(%arg9 : memref<!tpu.dma_semaphore, #tpu.memory_space<semaphore_mem>>)
    %dma_start3A_38 = arith.constant 2 : i32
    %dma_start3A_39 = arith.constant 0 : i32
    %dma_start3A_40 = arith.constant 0 : i32
    %dma_start3A_41 = tpu.memref_slice %arg7[%dma_start3A_38, %dma_start3A_39, %dma_start3A_40] : memref<4x80x128xf32, #tpu.memory_space<vmem>> -> memref<1x80x128xf32, #tpu.memory_space<vmem>>
    %dma_start3A_42 = tpu.memref_squeeze %dma_start3A_41 : memref<1x80x128xf32, #tpu.memory_space<vmem>> -> memref<80x128xf32, #tpu.memory_space<vmem>>
    %dma_start3A_43 = arith.constant 0 : i32
    %dma_start3A_44 = arith.constant 0 : i32
    %dma_start3A_45 = tpu.memref_slice %dma_start3A_42[%dma_start3A_43, %dma_start3A_44] : memref<80x128xf32, #tpu.memory_space<vmem>> -> memref<80x128xf32, #tpu.memory_space<vmem>>
    %dma_start3A_46 = arith.constant 160 : i32
    %dma_start3A_47 = tpu.memref_slice %arg6[%dma_start3A_46] : memref<10000xi32, #tpu.memory_space<vmem>> -> memref<80xi32, #tpu.memory_space<vmem>>
    %dma_start3A_48 = arith.constant 0 : i32
    %dma_start3A_49 = arith.constant 0 : i32
    %dma_start3A_50 = tpu.memref_slice %arg2[%dma_start3A_48, %dma_start3A_49] : memref<10000x128xf32, #tpu.memory_space<hbm>> -> memref<10000x128xf32, #tpu.memory_space<hbm>>
    tpu.enqueue_indirect_dma source(%dma_start3A_50 : memref<10000x128xf32, #tpu.memory_space<hbm>>) target(%dma_start3A_45 : memref<80x128xf32, #tpu.memory_space<vmem>>) offsets(%dma_start3A_47 : memref<80xi32, #tpu.memory_space<vmem>>) semaphore(%arg10 : memref<!tpu.dma_semaphore, #tpu.memory_space<semaphore_mem>>)
    %dma_wait3A = arith.constant 0 : i32
    %dma_wait3A_51 = arith.constant 0 : i32
    %dma_wait3A_52 = arith.constant 0 : i32
    %dma_wait3A_53 = tpu.memref_slice %arg7[%dma_wait3A, %dma_wait3A_51, %dma_wait3A_52] : memref<4x80x128xf32, #tpu.memory_space<vmem>> -> memref<1x80x128xf32, #tpu.memory_space<vmem>>
    %dma_wait3A_54 = tpu.memref_squeeze %dma_wait3A_53 : memref<1x80x128xf32, #tpu.memory_space<vmem>> -> memref<80x128xf32, #tpu.memory_space<vmem>>
    %dma_wait3A_55 = arith.constant 0 : i32
    %dma_wait3A_56 = arith.constant 0 : i32
    %dma_wait3A_57 = tpu.memref_slice %dma_wait3A_54[%dma_wait3A_55, %dma_wait3A_56] : memref<80x128xf32, #tpu.memory_space<vmem>> -> memref<80x128xf32, #tpu.memory_space<vmem>>
    %dma_wait3A_58 = arith.constant 0 : i32
    %dma_wait3A_59 = tpu.memref_slice %arg6[%dma_wait3A_58] : memref<10000xi32, #tpu.memory_space<vmem>> -> memref<80xi32, #tpu.memory_space<vmem>>
    %dma_wait3A_60 = arith.constant 0 : i32
    %dma_wait3A_61 = arith.constant 0 : i32
    %dma_wait3A_62 = tpu.memref_slice %arg2[%dma_wait3A_60, %dma_wait3A_61] : memref<10000x128xf32, #tpu.memory_space<hbm>> -> memref<10000x128xf32, #tpu.memory_space<hbm>>
    tpu.wait_indirect_dma semaphore(%arg8 : memref<!tpu.dma_semaphore, #tpu.memory_space<semaphore_mem>>) src(%dma_wait3A_62 : memref<10000x128xf32, #tpu.memory_space<hbm>>) dst(%dma_wait3A_57 : memref<80x128xf32, #tpu.memory_space<vmem>>)
    %add3A_63 = arith.constant 0 : i32
    %add3A_64 = arith.addi %mul3A_2, %add3A_63 : i32
    %dma_start3A_65 = arith.constant 0 : i32
    %dma_start3A_66 = arith.constant 0 : i32
    %dma_start3A_67 = arith.constant 0 : i32
    %dma_start3A_68 = tpu.memref_slice %arg7[%dma_start3A_65, %dma_start3A_66, %dma_start3A_67] : memref<4x80x128xf32, #tpu.memory_space<vmem>> -> memref<1x80x128xf32, #tpu.memory_space<vmem>>
    %dma_start3A_69 = tpu.memref_squeeze %dma_start3A_68 : memref<1x80x128xf32, #tpu.memory_space<vmem>> -> memref<80x128xf32, #tpu.memory_space<vmem>>
    %dma_start3A_70 = arith.constant 0 : i32
    %dma_start3A_71 = arith.constant 0 : i32
    %dma_start3A_72 = tpu.memref_slice %dma_start3A_69[%dma_start3A_70, %dma_start3A_71] : memref<80x128xf32, #tpu.memory_space<vmem>> -> memref<80x128xf32, #tpu.memory_space<vmem>>
    %dma_start3A_73 = arith.constant 0 : i32
    %dma_start3A_74 = tpu.memref_slice %arg4[%add3A_64, %dma_start3A_73] : memref<320000x128xf32, #tpu.memory_space<hbm>> -> memref<80x128xf32, #tpu.memory_space<hbm>>
    %dma_start3A_75 = arith.constant 0 : i32
    %dma_start3A_76 = tpu.memref_slice %arg4[%add3A_64, %dma_start3A_75] : memref<320000x128xf32, #tpu.memory_space<hbm>> -> memref<80x128xf32, #tpu.memory_space<hbm>>
    %dma_start3A_77 = arith.constant 0 : i32
    %dma_start3A_78 = arith.constant 0 : i32
    %dma_start3A_79 = tpu.memref_slice %arg7[%dma_start3A_65, %dma_start3A_77, %dma_start3A_78] : memref<4x80x128xf32, #tpu.memory_space<vmem>> -> memref<1x80x128xf32, #tpu.memory_space<vmem>>
    %dma_start3A_80 = tpu.memref_squeeze %dma_start3A_79 : memref<1x80x128xf32, #tpu.memory_space<vmem>> -> memref<80x128xf32, #tpu.memory_space<vmem>>
    %dma_start3A_81 = arith.constant 0 : i32
    %dma_start3A_82 = arith.constant 0 : i32
    %dma_start3A_83 = tpu.memref_slice %dma_start3A_80[%dma_start3A_81, %dma_start3A_82] : memref<80x128xf32, #tpu.memory_space<vmem>> -> memref<80x128xf32, #tpu.memory_space<vmem>>
    tpu.enqueue_dma source(%dma_start3A_83 : memref<80x128xf32, #tpu.memory_space<vmem>>) target(%dma_start3A_76 : memref<80x128xf32, #tpu.memory_space<hbm>>) target_semaphore(%arg12 : memref<!tpu.dma_semaphore, #tpu.memory_space<semaphore_mem>>)
    %dma_start3A_84 = arith.constant 3 : i32
    %dma_start3A_85 = arith.constant 0 : i32
    %dma_start3A_86 = arith.constant 0 : i32
    %dma_start3A_87 = tpu.memref_slice %arg7[%dma_start3A_84, %dma_start3A_85, %dma_start3A_86] : memref<4x80x128xf32, #tpu.memory_space<vmem>> -> memref<1x80x128xf32, #tpu.memory_space<vmem>>
    %dma_start3A_88 = tpu.memref_squeeze %dma_start3A_87 : memref<1x80x128xf32, #tpu.memory_space<vmem>> -> memref<80x128xf32, #tpu.memory_space<vmem>>
    %dma_start3A_89 = arith.constant 0 : i32
    %dma_start3A_90 = arith.constant 0 : i32
    %dma_start3A_91 = tpu.memref_slice %dma_start3A_88[%dma_start3A_89, %dma_start3A_90] : memref<80x128xf32, #tpu.memory_space<vmem>> -> memref<80x128xf32, #tpu.memory_space<vmem>>
    %dma_start3A_92 = arith.constant 240 : i32
    %dma_start3A_93 = tpu.memref_slice %arg6[%dma_start3A_92] : memref<10000xi32, #tpu.memory_space<vmem>> -> memref<80xi32, #tpu.memory_space<vmem>>
    %dma_start3A_94 = arith.constant 0 : i32
    %dma_start3A_95 = arith.constant 0 : i32
    %dma_start3A_96 = tpu.memref_slice %arg2[%dma_start3A_94, %dma_start3A_95] : memref<10000x128xf32, #tpu.memory_space<hbm>> -> memref<10000x128xf32, #tpu.memory_space<hbm>>
    tpu.enqueue_indirect_dma source(%dma_start3A_96 : memref<10000x128xf32, #tpu.memory_space<hbm>>) target(%dma_start3A_91 : memref<80x128xf32, #tpu.memory_space<vmem>>) offsets(%dma_start3A_93 : memref<80xi32, #tpu.memory_space<vmem>>) semaphore(%arg11 : memref<!tpu.dma_semaphore, #tpu.memory_space<semaphore_mem>>)
    %dma_wait3A_97 = arith.constant 1 : i32
    %dma_wait3A_98 = arith.constant 0 : i32
    %dma_wait3A_99 = arith.constant 0 : i32
    %dma_wait3A_100 = tpu.memref_slice %arg7[%dma_wait3A_97, %dma_wait3A_98, %dma_wait3A_99] : memref<4x80x128xf32, #tpu.memory_space<vmem>> -> memref<1x80x128xf32, #tpu.memory_space<vmem>>
    %dma_wait3A_101 = tpu.memref_squeeze %dma_wait3A_100 : memref<1x80x128xf32, #tpu.memory_space<vmem>> -> memref<80x128xf32, #tpu.memory_space<vmem>>
    %dma_wait3A_102 = arith.constant 0 : i32
    %dma_wait3A_103 = arith.constant 0 : i32
    %dma_wait3A_104 = tpu.memref_slice %dma_wait3A_101[%dma_wait3A_102, %dma_wait3A_103] : memref<80x128xf32, #tpu.memory_space<vmem>> -> memref<80x128xf32, #tpu.memory_space<vmem>>
    %dma_wait3A_105 = arith.constant 80 : i32
    %dma_wait3A_106 = tpu.memref_slice %arg6[%dma_wait3A_105] : memref<10000xi32, #tpu.memory_space<vmem>> -> memref<80xi32, #tpu.memory_space<vmem>>
    %dma_wait3A_107 = arith.constant 0 : i32
    %dma_wait3A_108 = arith.constant 0 : i32
    %dma_wait3A_109 = tpu.memref_slice %arg2[%dma_wait3A_107, %dma_wait3A_108] : memref<10000x128xf32, #tpu.memory_space<hbm>> -> memref<10000x128xf32, #tpu.memory_space<hbm>>
    tpu.wait_indirect_dma semaphore(%arg9 : memref<!tpu.dma_semaphore, #tpu.memory_space<semaphore_mem>>) src(%dma_wait3A_109 : memref<10000x128xf32, #tpu.memory_space<hbm>>) dst(%dma_wait3A_104 : memref<80x128xf32, #tpu.memory_space<vmem>>)
    %add3A_110 = arith.constant 80 : i32
    %add3A_111 = arith.addi %mul3A_2, %add3A_110 : i32
    %dma_start3A_112 = arith.constant 1 : i32
    %dma_start3A_113 = arith.constant 0 : i32
    %dma_start3A_114 = arith.constant 0 : i32
    %dma_start3A_115 = tpu.memref_slice %arg7[%dma_start3A_112, %dma_start3A_113, %dma_start3A_114] : memref<4x80x128xf32, #tpu.memory_space<vmem>> -> memref<1x80x128xf32, #tpu.memory_space<vmem>>
    %dma_start3A_116 = tpu.memref_squeeze %dma_start3A_115 : memref<1x80x128xf32, #tpu.memory_space<vmem>> -> memref<80x128xf32, #tpu.memory_space<vmem>>
    %dma_start3A_117 = arith.constant 0 : i32
    %dma_start3A_118 = arith.constant 0 : i32
    %dma_start3A_119 = tpu.memref_slice %dma_start3A_116[%dma_start3A_117, %dma_start3A_118] : memref<80x128xf32, #tpu.memory_space<vmem>> -> memref<80x128xf32, #tpu.memory_space<vmem>>
    %dma_start3A_120 = arith.constant 0 : i32
    %dma_start3A_121 = tpu.memref_slice %arg4[%add3A_111, %dma_start3A_120] : memref<320000x128xf32, #tpu.memory_space<hbm>> -> memref<80x128xf32, #tpu.memory_space<hbm>>
    %dma_start3A_122 = arith.constant 0 : i32
    %dma_start3A_123 = tpu.memref_slice %arg4[%add3A_111, %dma_start3A_122] : memref<320000x128xf32, #tpu.memory_space<hbm>> -> memref<80x128xf32, #tpu.memory_space<hbm>>
    %dma_start3A_124 = arith.constant 0 : i32
    %dma_start3A_125 = arith.constant 0 : i32
    %dma_start3A_126 = tpu.memref_slice %arg7[%dma_start3A_112, %dma_start3A_124, %dma_start3A_125] : memref<4x80x128xf32, #tpu.memory_space<vmem>> -> memref<1x80x128xf32, #tpu.memory_space<vmem>>
    %dma_start3A_127 = tpu.memref_squeeze %dma_start3A_126 : memref<1x80x128xf32, #tpu.memory_space<vmem>> -> memref<80x128xf32, #tpu.memory_space<vmem>>
    %dma_start3A_128 = arith.constant 0 : i32
    %dma_start3A_129 = arith.constant 0 : i32
    %dma_start3A_130 = tpu.memref_slice %dma_start3A_127[%dma_start3A_128, %dma_start3A_129] : memref<80x128xf32, #tpu.memory_space<vmem>> -> memref<80x128xf32, #tpu.memory_space<vmem>>
    tpu.enqueue_dma source(%dma_start3A_130 : memref<80x128xf32, #tpu.memory_space<vmem>>) target(%dma_start3A_123 : memref<80x128xf32, #tpu.memory_space<hbm>>) target_semaphore(%arg13 : memref<!tpu.dma_semaphore, #tpu.memory_space<semaphore_mem>>)
    %add3A_131 = arith.constant 0 : i32
    %add3A_132 = arith.addi %mul3A_2, %add3A_131 : i32
    %dma_wait3A_133 = arith.constant 0 : i32
    %dma_wait3A_134 = arith.constant 0 : i32
    %dma_wait3A_135 = arith.constant 0 : i32
    %dma_wait3A_136 = tpu.memref_slice %arg7[%dma_wait3A_133, %dma_wait3A_134, %dma_wait3A_135] : memref<4x80x128xf32, #tpu.memory_space<vmem>> -> memref<1x80x128xf32, #tpu.memory_space<vmem>>
    %dma_wait3A_137 = tpu.memref_squeeze %dma_wait3A_136 : memref<1x80x128xf32, #tpu.memory_space<vmem>> -> memref<80x128xf32, #tpu.memory_space<vmem>>
    %dma_wait3A_138 = arith.constant 0 : i32
    %dma_wait3A_139 = arith.constant 0 : i32
    %dma_wait3A_140 = tpu.memref_slice %dma_wait3A_137[%dma_wait3A_138, %dma_wait3A_139] : memref<80x128xf32, #tpu.memory_space<vmem>> -> memref<80x128xf32, #tpu.memory_space<vmem>>
    %dma_wait3A_141 = arith.constant 0 : i32
    %dma_wait3A_142 = tpu.memref_slice %arg4[%add3A_132, %dma_wait3A_141] : memref<320000x128xf32, #tpu.memory_space<hbm>> -> memref<80x128xf32, #tpu.memory_space<hbm>>
    %dma_wait3A_143 = arith.constant 0 : i32
    %dma_wait3A_144 = tpu.memref_slice %arg4[%add3A_132, %dma_wait3A_143] : memref<320000x128xf32, #tpu.memory_space<hbm>> -> memref<80x128xf32, #tpu.memory_space<hbm>>
    %dma_wait3A_145 = arith.constant 0 : i32
    %dma_wait3A_146 = arith.constant 0 : i32
    %dma_wait3A_147 = tpu.memref_slice %arg7[%dma_wait3A_133, %dma_wait3A_145, %dma_wait3A_146] : memref<4x80x128xf32, #tpu.memory_space<vmem>> -> memref<1x80x128xf32, #tpu.memory_space<vmem>>
    %dma_wait3A_148 = tpu.memref_squeeze %dma_wait3A_147 : memref<1x80x128xf32, #tpu.memory_space<vmem>> -> memref<80x128xf32, #tpu.memory_space<vmem>>
    %dma_wait3A_149 = arith.constant 0 : i32
    %dma_wait3A_150 = arith.constant 0 : i32
    %dma_wait3A_151 = tpu.memref_slice %dma_wait3A_148[%dma_wait3A_149, %dma_wait3A_150] : memref<80x128xf32, #tpu.memory_space<vmem>> -> memref<80x128xf32, #tpu.memory_space<vmem>>
    tpu.wait_dma2 semaphore(%arg12 : memref<!tpu.dma_semaphore, #tpu.memory_space<semaphore_mem>>) src(%dma_wait3A_151 : memref<80x128xf32, #tpu.memory_space<vmem>>) dst(%dma_wait3A_144 : memref<80x128xf32, #tpu.memory_space<hbm>>)
    %dma_start3A_152 = arith.constant 0 : i32
    %dma_start3A_153 = arith.constant 0 : i32
    %dma_start3A_154 = arith.constant 0 : i32
    %dma_start3A_155 = tpu.memref_slice %arg7[%dma_start3A_152, %dma_start3A_153, %dma_start3A_154] : memref<4x80x128xf32, #tpu.memory_space<vmem>> -> memref<1x80x128xf32, #tpu.memory_space<vmem>>
    %dma_start3A_156 = tpu.memref_squeeze %dma_start3A_155 : memref<1x80x128xf32, #tpu.memory_space<vmem>> -> memref<80x128xf32, #tpu.memory_space<vmem>>
    %dma_start3A_157 = arith.constant 0 : i32
    %dma_start3A_158 = arith.constant 0 : i32
    %dma_start3A_159 = tpu.memref_slice %dma_start3A_156[%dma_start3A_157, %dma_start3A_158] : memref<80x128xf32, #tpu.memory_space<vmem>> -> memref<80x128xf32, #tpu.memory_space<vmem>>
    %dma_start3A_160 = arith.constant 320 : i32
    %dma_start3A_161 = tpu.memref_slice %arg6[%dma_start3A_160] : memref<10000xi32, #tpu.memory_space<vmem>> -> memref<80xi32, #tpu.memory_space<vmem>>
    %dma_start3A_162 = arith.constant 0 : i32
    %dma_start3A_163 = arith.constant 0 : i32
    %dma_start3A_164 = tpu.memref_slice %arg2[%dma_start3A_162, %dma_start3A_163] : memref<10000x128xf32, #tpu.memory_space<hbm>> -> memref<10000x128xf32, #tpu.memory_space<hbm>>
    tpu.enqueue_indirect_dma source(%dma_start3A_164 : memref<10000x128xf32, #tpu.memory_space<hbm>>) target(%dma_start3A_159 : memref<80x128xf32, #tpu.memory_space<vmem>>) offsets(%dma_start3A_161 : memref<80xi32, #tpu.memory_space<vmem>>) semaphore(%arg8 : memref<!tpu.dma_semaphore, #tpu.memory_space<semaphore_mem>>)
    %dma_wait3A_165 = arith.constant 2 : i32
    %dma_wait3A_166 = arith.constant 0 : i32
    %dma_wait3A_167 = arith.constant 0 : i32
    %dma_wait3A_168 = tpu.memref_slice %arg7[%dma_wait3A_165, %dma_wait3A_166, %dma_wait3A_167] : memref<4x80x128xf32, #tpu.memory_space<vmem>> -> memref<1x80x128xf32, #tpu.memory_space<vmem>>
    %dma_wait3A_169 = tpu.memref_squeeze %dma_wait3A_168 : memref<1x80x128xf32, #tpu.memory_space<vmem>> -> memref<80x128xf32, #tpu.memory_space<vmem>>
    %dma_wait3A_170 = arith.constant 0 : i32
    %dma_wait3A_171 = arith.constant 0 : i32
    %dma_wait3A_172 = tpu.memref_slice %dma_wait3A_169[%dma_wait3A_170, %dma_wait3A_171] : memref<80x128xf32, #tpu.memory_space<vmem>> -> memref<80x128xf32, #tpu.memory_space<vmem>>
    %dma_wait3A_173 = arith.constant 160 : i32
    %dma_wait3A_174 = tpu.memref_slice %arg6[%dma_wait3A_173] : memref<10000xi32, #tpu.memory_space<vmem>> -> memref<80xi32, #tpu.memory_space<vmem>>
    %dma_wait3A_175 = arith.constant 0 : i32
    %dma_wait3A_176 = arith.constant 0 : i32
    %dma_wait3A_177 = tpu.memref_slice %arg2[%dma_wait3A_175, %dma_wait3A_176] : memref<10000x128xf32, #tpu.memory_space<hbm>> -> memref<10000x128xf32, #tpu.memory_space<hbm>>
    tpu.wait_indirect_dma semaphore(%arg10 : memref<!tpu.dma_semaphore, #tpu.memory_space<semaphore_mem>>) src(%dma_wait3A_177 : memref<10000x128xf32, #tpu.memory_space<hbm>>) dst(%dma_wait3A_172 : memref<80x128xf32, #tpu.memory_space<vmem>>)
    %add3A_178 = arith.constant 160 : i32
    %add3A_179 = arith.addi %mul3A_2, %add3A_178 : i32
    %dma_start3A_180 = arith.constant 2 : i32
    %dma_start3A_181 = arith.constant 0 : i32
    %dma_start3A_182 = arith.constant 0 : i32
    %dma_start3A_183 = tpu.memref_slice %arg7[%dma_start3A_180, %dma_start3A_181, %dma_start3A_182] : memref<4x80x128xf32, #tpu.memory_space<vmem>> -> memref<1x80x128xf32, #tpu.memory_space<vmem>>
    %dma_start3A_184 = tpu.memref_squeeze %dma_start3A_183 : memref<1x80x128xf32, #tpu.memory_space<vmem>> -> memref<80x128xf32, #tpu.memory_space<vmem>>
    %dma_start3A_185 = arith.constant 0 : i32
    %dma_start3A_186 = arith.constant 0 : i32
    %dma_start3A_187 = tpu.memref_slice %dma_start3A_184[%dma_start3A_185, %dma_start3A_186] : memref<80x128xf32, #tpu.memory_space<vmem>> -> memref<80x128xf32, #tpu.memory_space<vmem>>
    %dma_start3A_188 = arith.constant 0 : i32
    %dma_start3A_189 = tpu.memref_slice %arg4[%add3A_179, %dma_start3A_188] : memref<320000x128xf32, #tpu.memory_space<hbm>> -> memref<80x128xf32, #tpu.memory_space<hbm>>
    %dma_start3A_190 = arith.constant 0 : i32
    %dma_start3A_191 = tpu.memref_slice %arg4[%add3A_179, %dma_start3A_190] : memref<320000x128xf32, #tpu.memory_space<hbm>> -> memref<80x128xf32, #tpu.memory_space<hbm>>
    %dma_start3A_192 = arith.constant 0 : i32
    %dma_start3A_193 = arith.constant 0 : i32
    %dma_start3A_194 = tpu.memref_slice %arg7[%dma_start3A_180, %dma_start3A_192, %dma_start3A_193] : memref<4x80x128xf32, #tpu.memory_space<vmem>> -> memref<1x80x128xf32, #tpu.memory_space<vmem>>
    %dma_start3A_195 = tpu.memref_squeeze %dma_start3A_194 : memref<1x80x128xf32, #tpu.memory_space<vmem>> -> memref<80x128xf32, #tpu.memory_space<vmem>>
    %dma_start3A_196 = arith.constant 0 : i32
    %dma_start3A_197 = arith.constant 0 : i32
    %dma_start3A_198 = tpu.memref_slice %dma_start3A_195[%dma_start3A_196, %dma_start3A_197] : memref<80x128xf32, #tpu.memory_space<vmem>> -> memref<80x128xf32, #tpu.memory_space<vmem>>
    tpu.enqueue_dma source(%dma_start3A_198 : memref<80x128xf32, #tpu.memory_space<vmem>>) target(%dma_start3A_191 : memref<80x128xf32, #tpu.memory_space<hbm>>) target_semaphore(%arg14 : memref<!tpu.dma_semaphore, #tpu.memory_space<semaphore_mem>>)
    %add3A_199 = arith.constant 80 : i32
    %add3A_200 = arith.addi %mul3A_2, %add3A_199 : i32
    %dma_wait3A_201 = arith.constant 1 : i32
    %dma_wait3A_202 = arith.constant 0 : i32
    %dma_wait3A_203 = arith.constant 0 : i32
    %dma_wait3A_204 = tpu.memref_slice %arg7[%dma_wait3A_201, %dma_wait3A_202, %dma_wait3A_203] : memref<4x80x128xf32, #tpu.memory_space<vmem>> -> memref<1x80x128xf32, #tpu.memory_space<vmem>>
    %dma_wait3A_205 = tpu.memref_squeeze %dma_wait3A_204 : memref<1x80x128xf32, #tpu.memory_space<vmem>> -> memref<80x128xf32, #tpu.memory_space<vmem>>
    %dma_wait3A_206 = arith.constant 0 : i32
    %dma_wait3A_207 = arith.constant 0 : i32
    %dma_wait3A_208 = tpu.memref_slice %dma_wait3A_205[%dma_wait3A_206, %dma_wait3A_207] : memref<80x128xf32, #tpu.memory_space<vmem>> -> memref<80x128xf32, #tpu.memory_space<vmem>>
    %dma_wait3A_209 = arith.constant 0 : i32
    %dma_wait3A_210 = tpu.memref_slice %arg4[%add3A_200, %dma_wait3A_209] : memref<320000x128xf32, #tpu.memory_space<hbm>> -> memref<80x128xf32, #tpu.memory_space<hbm>>
    %dma_wait3A_211 = arith.constant 0 : i32
    %dma_wait3A_212 = tpu.memref_slice %arg4[%add3A_200, %dma_wait3A_211] : memref<320000x128xf32, #tpu.memory_space<hbm>> -> memref<80x128xf32, #tpu.memory_space<hbm>>
    %dma_wait3A_213 = arith.constant 0 : i32
    %dma_wait3A_214 = arith.constant 0 : i32
    %dma_wait3A_215 = tpu.memref_slice %arg7[%dma_wait3A_201, %dma_wait3A_213, %dma_wait3A_214] : memref<4x80x128xf32, #tpu.memory_space<vmem>> -> memref<1x80x128xf32, #tpu.memory_space<vmem>>
    %dma_wait3A_216 = tpu.memref_squeeze %dma_wait3A_215 : memref<1x80x128xf32, #tpu.memory_space<vmem>> -> memref<80x128xf32, #tpu.memory_space<vmem>>
    %dma_wait3A_217 = arith.constant 0 : i32
    %dma_wait3A_218 = arith.constant 0 : i32
    %dma_wait3A_219 = tpu.memref_slice %dma_wait3A_216[%dma_wait3A_217, %dma_wait3A_218] : memref<80x128xf32, #tpu.memory_space<vmem>> -> memref<80x128xf32, #tpu.memory_space<vmem>>
    tpu.wait_dma2 semaphore(%arg13 : memref<!tpu.dma_semaphore, #tpu.memory_space<semaphore_mem>>) src(%dma_wait3A_219 : memref<80x128xf32, #tpu.memory_space<vmem>>) dst(%dma_wait3A_212 : memref<80x128xf32, #tpu.memory_space<hbm>>)
    %dma_start3A_220 = arith.constant 1 : i32
    %dma_start3A_221 = arith.constant 0 : i32
    %dma_start3A_222 = arith.constant 0 : i32
    %dma_start3A_223 = tpu.memref_slice %arg7[%dma_start3A_220, %dma_start3A_221, %dma_start3A_222] : memref<4x80x128xf32, #tpu.memory_space<vmem>> -> memref<1x80x128xf32, #tpu.memory_space<vmem>>
    %dma_start3A_224 = tpu.memref_squeeze %dma_start3A_223 : memref<1x80x128xf32, #tpu.memory_space<vmem>> -> memref<80x128xf32, #tpu.memory_space<vmem>>
    %dma_start3A_225 = arith.constant 0 : i32
    %dma_start3A_226 = arith.constant 0 : i32
    %dma_start3A_227 = tpu.memref_slice %dma_start3A_224[%dma_start3A_225, %dma_start3A_226] : memref<80x128xf32, #tpu.memory_space<vmem>> -> memref<80x128xf32, #tpu.memory_space<vmem>>
    %dma_start3A_228 = arith.constant 400 : i32
    %dma_start3A_229 = tpu.memref_slice %arg6[%dma_start3A_228] : memref<10000xi32, #tpu.memory_space<vmem>> -> memref<80xi32, #tpu.memory_space<vmem>>
    %dma_start3A_230 = arith.constant 0 : i32
    %dma_start3A_231 = arith.constant 0 : i32
    %dma_start3A_232 = tpu.memref_slice %arg2[%dma_start3A_230, %dma_start3A_231] : memref<10000x128xf32, #tpu.memory_space<hbm>> -> memref<10000x128xf32, #tpu.memory_space<hbm>>
    tpu.enqueue_indirect_dma source(%dma_start3A_232 : memref<10000x128xf32, #tpu.memory_space<hbm>>) target(%dma_start3A_227 : memref<80x128xf32, #tpu.memory_space<vmem>>) offsets(%dma_start3A_229 : memref<80xi32, #tpu.memory_space<vmem>>) semaphore(%arg9 : memref<!tpu.dma_semaphore, #tpu.memory_space<semaphore_mem>>)
    %dma_wait3A_233 = arith.constant 3 : i32
    %dma_wait3A_234 = arith.constant 0 : i32
    %dma_wait3A_235 = arith.constant 0 : i32
    %dma_wait3A_236 = tpu.memref_slice %arg7[%dma_wait3A_233, %dma_wait3A_234, %dma_wait3A_235] : memref<4x80x128xf32, #tpu.memory_space<vmem>> -> memref<1x80x128xf32, #tpu.memory_space<vmem>>
    %dma_wait3A_237 = tpu.memref_squeeze %dma_wait3A_236 : memref<1x80x128xf32, #tpu.memory_space<vmem>> -> memref<80x128xf32, #tpu.memory_space<vmem>>
    %dma_wait3A_238 = arith.constant 0 : i32
    %dma_wait3A_239 = arith.constant 0 : i32
    %dma_wait3A_240 = tpu.memref_slice %dma_wait3A_237[%dma_wait3A_238, %dma_wait3A_239] : memref<80x128xf32, #tpu.memory_space<vmem>> -> memref<80x128xf32, #tpu.memory_space<vmem>>
    %dma_wait3A_241 = arith.constant 240 : i32
    %dma_wait3A_242 = tpu.memref_slice %arg6[%dma_wait3A_241] : memref<10000xi32, #tpu.memory_space<vmem>> -> memref<80xi32, #tpu.memory_space<vmem>>
    %dma_wait3A_243 = arith.constant 0 : i32
    %dma_wait3A_244 = arith.constant 0 : i32
    %dma_wait3A_245 = tpu.memref_slice %arg2[%dma_wait3A_243, %dma_wait3A_244] : memref<10000x128xf32, #tpu.memory_space<hbm>> -> memref<10000x128xf32, #tpu.memory_space<hbm>>
    tpu.wait_indirect_dma semaphore(%arg11 : memref<!tpu.dma_semaphore, #tpu.memory_space<semaphore_mem>>) src(%dma_wait3A_245 : memref<10000x128xf32, #tpu.memory_space<hbm>>) dst(%dma_wait3A_240 : memref<80x128xf32, #tpu.memory_space<vmem>>)
    %add3A_246 = arith.constant 240 : i32
    %add3A_247 = arith.addi %mul3A_2, %add3A_246 : i32
    %dma_start3A_248 = arith.constant 3 : i32
    %dma_start3A_249 = arith.constant 0 : i32
    %dma_start3A_250 = arith.constant 0 : i32
    %dma_start3A_251 = tpu.memref_slice %arg7[%dma_start3A_248, %dma_start3A_249, %dma_start3A_250] : memref<4x80x128xf32, #tpu.memory_space<vmem>> -> memref<1x80x128xf32, #tpu.memory_space<vmem>>
    %dma_start3A_252 = tpu.memref_squeeze %dma_start3A_251 : memref<1x80x128xf32, #tpu.memory_space<vmem>> -> memref<80x128xf32, #tpu.memory_space<vmem>>
    %dma_start3A_253 = arith.constant 0 : i32
    %dma_start3A_254 = arith.constant 0 : i32
    %dma_start3A_255 = tpu.memref_slice %dma_start3A_252[%dma_start3A_253, %dma_start3A_254] : memref<80x128xf32, #tpu.memory_space<vmem>> -> memref<80x128xf32, #tpu.memory_space<vmem>>
    %dma_start3A_256 = arith.constant 0 : i32
    %dma_start3A_257 = tpu.memref_slice %arg4[%add3A_247, %dma_start3A_256] : memref<320000x128xf32, #tpu.memory_space<hbm>> -> memref<80x128xf32, #tpu.memory_space<hbm>>
    %dma_start3A_258 = arith.constant 0 : i32
    %dma_start3A_259 = tpu.memref_slice %arg4[%add3A_247, %dma_start3A_258] : memref<320000x128xf32, #tpu.memory_space<hbm>> -> memref<80x128xf32, #tpu.memory_space<hbm>>
    %dma_start3A_260 = arith.constant 0 : i32
    %dma_start3A_261 = arith.constant 0 : i32
    %dma_start3A_262 = tpu.memref_slice %arg7[%dma_start3A_248, %dma_start3A_260, %dma_start3A_261] : memref<4x80x128xf32, #tpu.memory_space<vmem>> -> memref<1x80x128xf32, #tpu.memory_space<vmem>>
    %dma_start3A_263 = tpu.memref_squeeze %dma_start3A_262 : memref<1x80x128xf32, #tpu.memory_space<vmem>> -> memref<80x128xf32, #tpu.memory_space<vmem>>
    %dma_start3A_264 = arith.constant 0 : i32
    %dma_start3A_265 = arith.constant 0 : i32
    %dma_start3A_266 = tpu.memref_slice %dma_start3A_263[%dma_start3A_264, %dma_start3A_265] : memref<80x128xf32, #tpu.memory_space<vmem>> -> memref<80x128xf32, #tpu.memory_space<vmem>>
    tpu.enqueue_dma source(%dma_start3A_266 : memref<80x128xf32, #tpu.memory_space<vmem>>) target(%dma_start3A_259 : memref<80x128xf32, #tpu.memory_space<hbm>>) target_semaphore(%arg15 : memref<!tpu.dma_semaphore, #tpu.memory_space<semaphore_mem>>)
    %add3A_267 = arith.constant 160 : i32
    %add3A_268 = arith.addi %mul3A_2, %add3A_267 : i32
    %dma_wait3A_269 = arith.constant 2 : i32
    %dma_wait3A_270 = arith.constant 0 : i32
    %dma_wait3A_271 = arith.constant 0 : i32
    %dma_wait3A_272 = tpu.memref_slice %arg7[%dma_wait3A_269, %dma_wait3A_270, %dma_wait3A_271] : memref<4x80x128xf32, #tpu.memory_space<vmem>> -> memref<1x80x128xf32, #tpu.memory_space<vmem>>
    %dma_wait3A_273 = tpu.memref_squeeze %dma_wait3A_272 : memref<1x80x128xf32, #tpu.memory_space<vmem>> -> memref<80x128xf32, #tpu.memory_space<vmem>>
    %dma_wait3A_274 = arith.constant 0 : i32
    %dma_wait3A_275 = arith.constant 0 : i32
    %dma_wait3A_276 = tpu.memref_slice %dma_wait3A_273[%dma_wait3A_274, %dma_wait3A_275] : memref<80x128xf32, #tpu.memory_space<vmem>> -> memref<80x128xf32, #tpu.memory_space<vmem>>
    %dma_wait3A_277 = arith.constant 0 : i32
    %dma_wait3A_278 = tpu.memref_slice %arg4[%add3A_268, %dma_wait3A_277] : memref<320000x128xf32, #tpu.memory_space<hbm>> -> memref<80x128xf32, #tpu.memory_space<hbm>>
    %dma_wait3A_279 = arith.constant 0 : i32
    %dma_wait3A_280 = tpu.memref_slice %arg4[%add3A_268, %dma_wait3A_279] : memref<320000x128xf32, #tpu.memory_space<hbm>> -> memref<80x128xf32, #tpu.memory_space<hbm>>
    %dma_wait3A_281 = arith.constant 0 : i32
    %dma_wait3A_282 = arith.constant 0 : i32
    %dma_wait3A_283 = tpu.memref_slice %arg7[%dma_wait3A_269, %dma_wait3A_281, %dma_wait3A_282] : memref<4x80x128xf32, #tpu.memory_space<vmem>> -> memref<1x80x128xf32, #tpu.memory_space<vmem>>
    %dma_wait3A_284 = tpu.memref_squeeze %dma_wait3A_283 : memref<1x80x128xf32, #tpu.memory_space<vmem>> -> memref<80x128xf32, #tpu.memory_space<vmem>>
    %dma_wait3A_285 = arith.constant 0 : i32
    %dma_wait3A_286 = arith.constant 0 : i32
    %dma_wait3A_287 = tpu.memref_slice %dma_wait3A_284[%dma_wait3A_285, %dma_wait3A_286] : memref<80x128xf32, #tpu.memory_space<vmem>> -> memref<80x128xf32, #tpu.memory_space<vmem>>
    tpu.wait_dma2 semaphore(%arg14 : memref<!tpu.dma_semaphore, #tpu.memory_space<semaphore_mem>>) src(%dma_wait3A_287 : memref<80x128xf32, #tpu.memory_space<vmem>>) dst(%dma_wait3A_280 : memref<80x128xf32, #tpu.memory_space<hbm>>)
    %dma_start3A_288 = arith.constant 2 : i32
    %dma_start3A_289 = arith.constant 0 : i32
    %dma_start3A_290 = arith.constant 0 : i32
    %dma_start3A_291 = tpu.memref_slice %arg7[%dma_start3A_288, %dma_start3A_289, %dma_start3A_290] : memref<4x80x128xf32, #tpu.memory_space<vmem>> -> memref<1x80x128xf32, #tpu.memory_space<vmem>>
    %dma_start3A_292 = tpu.memref_squeeze %dma_start3A_291 : memref<1x80x128xf32, #tpu.memory_space<vmem>> -> memref<80x128xf32, #tpu.memory_space<vmem>>
    %dma_start3A_293 = arith.constant 0 : i32
    %dma_start3A_294 = arith.constant 0 : i32
    %dma_start3A_295 = tpu.memref_slice %dma_start3A_292[%dma_start3A_293, %dma_start3A_294] : memref<80x128xf32, #tpu.memory_space<vmem>> -> memref<80x128xf32, #tpu.memory_space<vmem>>
    %dma_start3A_296 = arith.constant 480 : i32
    %dma_start3A_297 = tpu.memref_slice %arg6[%dma_start3A_296] : memref<10000xi32, #tpu.memory_space<vmem>> -> memref<80xi32, #tpu.memory_space<vmem>>
    %dma_start3A_298 = arith.constant 0 : i32
    %dma_start3A_299 = arith.constant 0 : i32
    %dma_start3A_300 = tpu.memref_slice %arg2[%dma_start3A_298, %dma_start3A_299] : memref<10000x128xf32, #tpu.memory_space<hbm>> -> memref<10000x128xf32, #tpu.memory_space<hbm>>
    tpu.enqueue_indirect_dma source(%dma_start3A_300 : memref<10000x128xf32, #tpu.memory_space<hbm>>) target(%dma_start3A_295 : memref<80x128xf32, #tpu.memory_space<vmem>>) offsets(%dma_start3A_297 : memref<80xi32, #tpu.memory_space<vmem>>) semaphore(%arg10 : memref<!tpu.dma_semaphore, #tpu.memory_space<semaphore_mem>>)
    %dma_wait3A_301 = arith.constant 0 : i32
    %dma_wait3A_302 = arith.constant 0 : i32
    %dma_wait3A_303 = arith.constant 0 : i32
    %dma_wait3A_304 = tpu.memref_slice %arg7[%dma_wait3A_301, %dma_wait3A_302, %dma_wait3A_303] : memref<4x80x128xf32, #tpu.memory_space<vmem>> -> memref<1x80x128xf32, #tpu.memory_space<vmem>>
    %dma_wait3A_305 = tpu.memref_squeeze %dma_wait3A_304 : memref<1x80x128xf32, #tpu.memory_space<vmem>> -> memref<80x128xf32, #tpu.memory_space<vmem>>
    %dma_wait3A_306 = arith.constant 0 : i32
    %dma_wait3A_307 = arith.constant 0 : i32
    %dma_wait3A_308 = tpu.memref_slice %dma_wait3A_305[%dma_wait3A_306, %dma_wait3A_307] : memref<80x128xf32, #tpu.memory_space<vmem>> -> memref<80x128xf32, #tpu.memory_space<vmem>>
    %dma_wait3A_309 = arith.constant 320 : i32
    %dma_wait3A_310 = tpu.memref_slice %arg6[%dma_wait3A_309] : memref<10000xi32, #tpu.memory_space<vmem>> -> memref<80xi32, #tpu.memory_space<vmem>>
    %dma_wait3A_311 = arith.constant 0 : i32
    %dma_wait3A_312 = arith.constant 0 : i32
    %dma_wait3A_313 = tpu.memref_slice %arg2[%dma_wait3A_311, %dma_wait3A_312] : memref<10000x128xf32, #tpu.memory_space<hbm>> -> memref<10000x128xf32, #tpu.memory_space<hbm>>
    tpu.wait_indirect_dma semaphore(%arg8 : memref<!tpu.dma_semaphore, #tpu.memory_space<semaphore_mem>>) src(%dma_wait3A_313 : memref<10000x128xf32, #tpu.memory_space<hbm>>) dst(%dma_wait3A_308 : memref<80x128xf32, #tpu.memory_space<vmem>>)
    %add3A_314 = arith.constant 320 : i32
    %add3A_315 = arith.addi %mul3A_2, %add3A_314 : i32
    %dma_start3A_316 = arith.constant 0 : i32
    %dma_start3A_317 = arith.constant 0 : i32
    %dma_start3A_318 = arith.constant 0 : i32
    %dma_start3A_319 = tpu.memref_slice %arg7[%dma_start3A_316, %dma_start3A_317, %dma_start3A_318] : memref<4x80x128xf32, #tpu.memory_space<vmem>> -> memref<1x80x128xf32, #tpu.memory_space<vmem>>
    %dma_start3A_320 = tpu.memref_squeeze %dma_start3A_319 : memref<1x80x128xf32, #tpu.memory_space<vmem>> -> memref<80x128xf32, #tpu.memory_space<vmem>>
    %dma_start3A_321 = arith.constant 0 : i32
    %dma_start3A_322 = arith.constant 0 : i32
    %dma_start3A_323 = tpu.memref_slice %dma_start3A_320[%dma_start3A_321, %dma_start3A_322] : memref<80x128xf32, #tpu.memory_space<vmem>> -> memref<80x128xf32, #tpu.memory_space<vmem>>
    %dma_start3A_324 = arith.constant 0 : i32
    %dma_start3A_325 = tpu.memref_slice %arg4[%add3A_315, %dma_start3A_324] : memref<320000x128xf32, #tpu.memory_space<hbm>> -> memref<80x128xf32, #tpu.memory_space<hbm>>
    %dma_start3A_326 = arith.constant 0 : i32
    %dma_start3A_327 = tpu.memref_slice %arg4[%add3A_315, %dma_start3A_326] : memref<320000x128xf32, #tpu.memory_space<hbm>> -> memref<80x128xf32, #tpu.memory_space<hbm>>
    %dma_start3A_328 = arith.constant 0 : i32
    %dma_start3A_329 = arith.constant 0 : i32
    %dma_start3A_330 = tpu.memref_slice %arg7[%dma_start3A_316, %dma_start3A_328, %dma_start3A_329] : memref<4x80x128xf32, #tpu.memory_space<vmem>> -> memref<1x80x128xf32, #tpu.memory_space<vmem>>
    %dma_start3A_331 = tpu.memref_squeeze %dma_start3A_330 : memref<1x80x128xf32, #tpu.memory_space<vmem>> -> memref<80x128xf32, #tpu.memory_space<vmem>>
    %dma_start3A_332 = arith.constant 0 : i32
    %dma_start3A_333 = arith.constant 0 : i32
    %dma_start3A_334 = tpu.memref_slice %dma_start3A_331[%dma_start3A_332, %dma_start3A_333] : memref<80x128xf32, #tpu.memory_space<vmem>> -> memref<80x128xf32, #tpu.memory_space<vmem>>
    tpu.enqueue_dma source(%dma_start3A_334 : memref<80x128xf32, #tpu.memory_space<vmem>>) target(%dma_start3A_327 : memref<80x128xf32, #tpu.memory_space<hbm>>) target_semaphore(%arg12 : memref<!tpu.dma_semaphore, #tpu.memory_space<semaphore_mem>>)
    %add3A_335 = arith.constant 240 : i32
    %add3A_336 = arith.addi %mul3A_2, %add3A_335 : i32
    %dma_wait3A_337 = arith.constant 3 : i32
    %dma_wait3A_338 = arith.constant 0 : i32
    %dma_wait3A_339 = arith.constant 0 : i32
    %dma_wait3A_340 = tpu.memref_slice %arg7[%dma_wait3A_337, %dma_wait3A_338, %dma_wait3A_339] : memref<4x80x128xf32, #tpu.memory_space<vmem>> -> memref<1x80x128xf32, #tpu.memory_space<vmem>>
    %dma_wait3A_341 = tpu.memref_squeeze %dma_wait3A_340 : memref<1x80x128xf32, #tpu.memory_space<vmem>> -> memref<80x128xf32, #tpu.memory_space<vmem>>
    %dma_wait3A_342 = arith.constant 0 : i32
    %dma_wait3A_343 = arith.constant 0 : i32
    %dma_wait3A_344 = tpu.memref_slice %dma_wait3A_341[%dma_wait3A_342, %dma_wait3A_343] : memref<80x128xf32, #tpu.memory_space<vmem>> -> memref<80x128xf32, #tpu.memory_space<vmem>>
    %dma_wait3A_345 = arith.constant 0 : i32
    %dma_wait3A_346 = tpu.memref_slice %arg4[%add3A_336, %dma_wait3A_345] : memref<320000x128xf32, #tpu.memory_space<hbm>> -> memref<80x128xf32, #tpu.memory_space<hbm>>
    %dma_wait3A_347 = arith.constant 0 : i32
    %dma_wait3A_348 = tpu.memref_slice %arg4[%add3A_336, %dma_wait3A_347] : memref<320000x128xf32, #tpu.memory_space<hbm>> -> memref<80x128xf32, #tpu.memory_space<hbm>>
    %dma_wait3A_349 = arith.constant 0 : i32
    %dma_wait3A_350 = arith.constant 0 : i32
    %dma_wait3A_351 = tpu.memref_slice %arg7[%dma_wait3A_337, %dma_wait3A_349, %dma_wait3A_350] : memref<4x80x128xf32, #tpu.memory_space<vmem>> -> memref<1x80x128xf32, #tpu.memory_space<vmem>>
    %dma_wait3A_352 = tpu.memref_squeeze %dma_wait3A_351 : memref<1x80x128xf32, #tpu.memory_space<vmem>> -> memref<80x128xf32, #tpu.memory_space<vmem>>
    %dma_wait3A_353 = arith.constant 0 : i32
    %dma_wait3A_354 = arith.constant 0 : i32
    %dma_wait3A_355 = tpu.memref_slice %dma_wait3A_352[%dma_wait3A_353, %dma_wait3A_354] : memref<80x128xf32, #tpu.memory_space<vmem>> -> memref<80x128xf32, #tpu.memory_space<vmem>>
    tpu.wait_dma2 semaphore(%arg15 : memref<!tpu.dma_semaphore, #tpu.memory_space<semaphore_mem>>) src(%dma_wait3A_355 : memref<80x128xf32, #tpu.memory_space<vmem>>) dst(%dma_wait3A_348 : memref<80x128xf32, #tpu.memory_space<hbm>>)
    %dma_start3A_356 = arith.constant 3 : i32
    %dma_start3A_357 = arith.constant 0 : i32
    %dma_start3A_358 = arith.constant 0 : i32
    %dma_start3A_359 = tpu.memref_slice %arg7[%dma_start3A_356, %dma_start3A_357, %dma_start3A_358] : memref<4x80x128xf32, #tpu.memory_space<vmem>> -> memref<1x80x128xf32, #tpu.memory_space<vmem>>
    %dma_start3A_360 = tpu.memref_squeeze %dma_start3A_359 : memref<1x80x128xf32, #tpu.memory_space<vmem>> -> memref<80x128xf32, #tpu.memory_space<vmem>>
    %dma_start3A_361 = arith.constant 0 : i32
    %dma_start3A_362 = arith.constant 0 : i32
    %dma_start3A_363 = tpu.memref_slice %dma_start3A_360[%dma_start3A_361, %dma_start3A_362] : memref<80x128xf32, #tpu.memory_space<vmem>> -> memref<80x128xf32, #tpu.memory_space<vmem>>
    %dma_start3A_364 = arith.constant 560 : i32
    %dma_start3A_365 = tpu.memref_slice %arg6[%dma_start3A_364] : memref<10000xi32, #tpu.memory_space<vmem>> -> memref<80xi32, #tpu.memory_space<vmem>>
    %dma_start3A_366 = arith.constant 0 : i32
    %dma_start3A_367 = arith.constant 0 : i32
    %dma_start3A_368 = tpu.memref_slice %arg2[%dma_start3A_366, %dma_start3A_367] : memref<10000x128xf32, #tpu.memory_space<hbm>> -> memref<10000x128xf32, #tpu.memory_space<hbm>>
    tpu.enqueue_indirect_dma source(%dma_start3A_368 : memref<10000x128xf32, #tpu.memory_space<hbm>>) target(%dma_start3A_363 : memref<80x128xf32, #tpu.memory_space<vmem>>) offsets(%dma_start3A_365 : memref<80xi32, #tpu.memory_space<vmem>>) semaphore(%arg11 : memref<!tpu.dma_semaphore, #tpu.memory_space<semaphore_mem>>)
    %dma_wait3A_369 = arith.constant 1 : i32
    %dma_wait3A_370 = arith.constant 0 : i32
    %dma_wait3A_371 = arith.constant 0 : i32
    %dma_wait3A_372 = tpu.memref_slice %arg7[%dma_wait3A_369, %dma_wait3A_370, %dma_wait3A_371] : memref<4x80x128xf32, #tpu.memory_space<vmem>> -> memref<1x80x128xf32, #tpu.memory_space<vmem>>
    %dma_wait3A_373 = tpu.memref_squeeze %dma_wait3A_372 : memref<1x80x128xf32, #tpu.memory_space<vmem>> -> memref<80x128xf32, #tpu.memory_space<vmem>>
    %dma_wait3A_374 = arith.constant 0 : i32
    %dma_wait3A_375 = arith.constant 0 : i32
    %dma_wait3A_376 = tpu.memref_slice %dma_wait3A_373[%dma_wait3A_374, %dma_wait3A_375] : memref<80x128xf32, #tpu.memory_space<vmem>> -> memref<80x128xf32, #tpu.memory_space<vmem>>
    %dma_wait3A_377 = arith.constant 400 : i32
    %dma_wait3A_378 = tpu.memref_slice %arg6[%dma_wait3A_377] : memref<10000xi32, #tpu.memory_space<vmem>> -> memref<80xi32, #tpu.memory_space<vmem>>
    %dma_wait3A_379 = arith.constant 0 : i32
    %dma_wait3A_380 = arith.constant 0 : i32
    %dma_wait3A_381 = tpu.memref_slice %arg2[%dma_wait3A_379, %dma_wait3A_380] : memref<10000x128xf32, #tpu.memory_space<hbm>> -> memref<10000x128xf32, #tpu.memory_space<hbm>>
    tpu.wait_indirect_dma semaphore(%arg9 : memref<!tpu.dma_semaphore, #tpu.memory_space<semaphore_mem>>) src(%dma_wait3A_381 : memref<10000x128xf32, #tpu.memory_space<hbm>>) dst(%dma_wait3A_376 : memref<80x128xf32, #tpu.memory_space<vmem>>)
    %add3A_382 = arith.constant 400 : i32
    %add3A_383 = arith.addi %mul3A_2, %add3A_382 : i32
    %dma_start3A_384 = arith.constant 1 : i32
    %dma_start3A_385 = arith.constant 0 : i32
    %dma_start3A_386 = arith.constant 0 : i32
    %dma_start3A_387 = tpu.memref_slice %arg7[%dma_start3A_384, %dma_start3A_385, %dma_start3A_386] : memref<4x80x128xf32, #tpu.memory_space<vmem>> -> memref<1x80x128xf32, #tpu.memory_space<vmem>>
    %dma_start3A_388 = tpu.memref_squeeze %dma_start3A_387 : memref<1x80x128xf32, #tpu.memory_space<vmem>> -> memref<80x128xf32, #tpu.memory_space<vmem>>
    %dma_start3A_389 = arith.constant 0 : i32
    %dma_start3A_390 = arith.constant 0 : i32
    %dma_start3A_391 = tpu.memref_slice %dma_start3A_388[%dma_start3A_389, %dma_start3A_390] : memref<80x128xf32, #tpu.memory_space<vmem>> -> memref<80x128xf32, #tpu.memory_space<vmem>>
    %dma_start3A_392 = arith.constant 0 : i32
    %dma_start3A_393 = tpu.memref_slice %arg4[%add3A_383, %dma_start3A_392] : memref<320000x128xf32, #tpu.memory_space<hbm>> -> memref<80x128xf32, #tpu.memory_space<hbm>>
    %dma_start3A_394 = arith.constant 0 : i32
    %dma_start3A_395 = tpu.memref_slice %arg4[%add3A_383, %dma_start3A_394] : memref<320000x128xf32, #tpu.memory_space<hbm>> -> memref<80x128xf32, #tpu.memory_space<hbm>>
    %dma_start3A_396 = arith.constant 0 : i32
    %dma_start3A_397 = arith.constant 0 : i32
    %dma_start3A_398 = tpu.memref_slice %arg7[%dma_start3A_384, %dma_start3A_396, %dma_start3A_397] : memref<4x80x128xf32, #tpu.memory_space<vmem>> -> memref<1x80x128xf32, #tpu.memory_space<vmem>>
    %dma_start3A_399 = tpu.memref_squeeze %dma_start3A_398 : memref<1x80x128xf32, #tpu.memory_space<vmem>> -> memref<80x128xf32, #tpu.memory_space<vmem>>
    %dma_start3A_400 = arith.constant 0 : i32
    %dma_start3A_401 = arith.constant 0 : i32
    %dma_start3A_402 = tpu.memref_slice %dma_start3A_399[%dma_start3A_400, %dma_start3A_401] : memref<80x128xf32, #tpu.memory_space<vmem>> -> memref<80x128xf32, #tpu.memory_space<vmem>>
    tpu.enqueue_dma source(%dma_start3A_402 : memref<80x128xf32, #tpu.memory_space<vmem>>) target(%dma_start3A_395 : memref<80x128xf32, #tpu.memory_space<hbm>>) target_semaphore(%arg13 : memref<!tpu.dma_semaphore, #tpu.memory_space<semaphore_mem>>)
    %mul3A_403 = arith.constant 624 : i32
    %mul3A_404 = arith.muli %arg1, %mul3A_403 : i32
    %mul3A_405 = arith.constant 624 : i32
    %mul3A_406 = arith.muli %arg1, %mul3A_405 : i32
    %dma_wait3A_407 = arith.constant 0 : i32
    %dma_wait3A_408 = tpu.memref_slice %arg5[%mul3A_406, %dma_wait3A_407] : memref<10000x128xf32, #tpu.memory_space<vmem_shared>> -> memref<624x128xf32, #tpu.memory_space<vmem_shared>>
    %dma_wait3A_409 = arith.constant 0 : i32
    %dma_wait3A_410 = tpu.memref_slice %arg2[%mul3A_404, %dma_wait3A_409] : memref<10000x128xf32, #tpu.memory_space<hbm>> -> memref<624x128xf32, #tpu.memory_space<hbm>>
    tpu.wait_dma2 semaphore(%arg16 : memref<!tpu.dma_semaphore, #tpu.memory_space<semaphore_mem>>) src(%dma_wait3A_410 : memref<624x128xf32, #tpu.memory_space<hbm>>) dst(%dma_wait3A_408 : memref<624x128xf32, #tpu.memory_space<vmem_shared>>)
    %eq3A_411 = arith.constant 15 : i32
    %eq3A_412 = arith.cmpi eq, %arg1, %eq3A_411 : i32
    %convert_element_type3A_413 = arith.extui %eq3A_412 : i1 to i32
    %cond3A_414 = arith.constant 0 : i32
    %cond3A_415 = arith.cmpi ne, %convert_element_type3A_413, %cond3A_414 : i32
    scf.if %cond3A_415 {
      %dma_wait3A_912 = arith.constant 9984 : i32
      %dma_wait3A_913 = arith.constant 0 : i32
      %dma_wait3A_914 = tpu.memref_slice %arg5[%dma_wait3A_912, %dma_wait3A_913] : memref<10000x128xf32, #tpu.memory_space<vmem_shared>> -> memref<16x128xf32, #tpu.memory_space<vmem_shared>>
      %dma_wait3A_915 = arith.constant 9984 : i32
      %dma_wait3A_916 = arith.constant 0 : i32
      %dma_wait3A_917 = tpu.memref_slice %arg2[%dma_wait3A_915, %dma_wait3A_916] : memref<10000x128xf32, #tpu.memory_space<hbm>> -> memref<16x128xf32, #tpu.memory_space<hbm>>
      tpu.wait_dma2 semaphore(%arg16 : memref<!tpu.dma_semaphore, #tpu.memory_space<semaphore_mem>>) src(%dma_wait3A_917 : memref<16x128xf32, #tpu.memory_space<hbm>>) dst(%dma_wait3A_914 : memref<16x128xf32, #tpu.memory_space<vmem_shared>>)
    } else {
    }
    %barrier3A = arith.constant 0 : index
    tpu.barrier barrier_id(%barrier3A)
    %add3A_416 = arith.constant 320 : i32
    %add3A_417 = arith.addi %mul3A_2, %add3A_416 : i32
    %dma_wait3A_418 = arith.constant 0 : i32
    %dma_wait3A_419 = arith.constant 0 : i32
    %dma_wait3A_420 = arith.constant 0 : i32
    %dma_wait3A_421 = tpu.memref_slice %arg7[%dma_wait3A_418, %dma_wait3A_419, %dma_wait3A_420] : memref<4x80x128xf32, #tpu.memory_space<vmem>> -> memref<1x80x128xf32, #tpu.memory_space<vmem>>
    %dma_wait3A_422 = tpu.memref_squeeze %dma_wait3A_421 : memref<1x80x128xf32, #tpu.memory_space<vmem>> -> memref<80x128xf32, #tpu.memory_space<vmem>>
    %dma_wait3A_423 = arith.constant 0 : i32
    %dma_wait3A_424 = arith.constant 0 : i32
    %dma_wait3A_425 = tpu.memref_slice %dma_wait3A_422[%dma_wait3A_423, %dma_wait3A_424] : memref<80x128xf32, #tpu.memory_space<vmem>> -> memref<80x128xf32, #tpu.memory_space<vmem>>
    %dma_wait3A_426 = arith.constant 0 : i32
    %dma_wait3A_427 = tpu.memref_slice %arg4[%add3A_417, %dma_wait3A_426] : memref<320000x128xf32, #tpu.memory_space<hbm>> -> memref<80x128xf32, #tpu.memory_space<hbm>>
    %dma_wait3A_428 = arith.constant 0 : i32
    %dma_wait3A_429 = tpu.memref_slice %arg4[%add3A_417, %dma_wait3A_428] : memref<320000x128xf32, #tpu.memory_space<hbm>> -> memref<80x128xf32, #tpu.memory_space<hbm>>
    %dma_wait3A_430 = arith.constant 0 : i32
    %dma_wait3A_431 = arith.constant 0 : i32
    %dma_wait3A_432 = tpu.memref_slice %arg7[%dma_wait3A_418, %dma_wait3A_430, %dma_wait3A_431] : memref<4x80x128xf32, #tpu.memory_space<vmem>> -> memref<1x80x128xf32, #tpu.memory_space<vmem>>
    %dma_wait3A_433 = tpu.memref_squeeze %dma_wait3A_432 : memref<1x80x128xf32, #tpu.memory_space<vmem>> -> memref<80x128xf32, #tpu.memory_space<vmem>>
    %dma_wait3A_434 = arith.constant 0 : i32
    %dma_wait3A_435 = arith.constant 0 : i32
    %dma_wait3A_436 = tpu.memref_slice %dma_wait3A_433[%dma_wait3A_434, %dma_wait3A_435] : memref<80x128xf32, #tpu.memory_space<vmem>> -> memref<80x128xf32, #tpu.memory_space<vmem>>
    tpu.wait_dma2 semaphore(%arg12 : memref<!tpu.dma_semaphore, #tpu.memory_space<semaphore_mem>>) src(%dma_wait3A_436 : memref<80x128xf32, #tpu.memory_space<vmem>>) dst(%dma_wait3A_429 : memref<80x128xf32, #tpu.memory_space<hbm>>)
    %dma_start3A_437 = arith.constant 0 : i32
    %dma_start3A_438 = arith.constant 0 : i32
    %dma_start3A_439 = arith.constant 0 : i32
    %dma_start3A_440 = tpu.memref_slice %arg7[%dma_start3A_437, %dma_start3A_438, %dma_start3A_439] : memref<4x80x128xf32, #tpu.memory_space<vmem>> -> memref<1x80x128xf32, #tpu.memory_space<vmem>>
    %dma_start3A_441 = tpu.memref_squeeze %dma_start3A_440 : memref<1x80x128xf32, #tpu.memory_space<vmem>> -> memref<80x128xf32, #tpu.memory_space<vmem>>
    %dma_start3A_442 = arith.constant 0 : i32
    %dma_start3A_443 = arith.constant 0 : i32
    %dma_start3A_444 = tpu.memref_slice %dma_start3A_441[%dma_start3A_442, %dma_start3A_443] : memref<80x128xf32, #tpu.memory_space<vmem>> -> memref<80x128xf32, #tpu.memory_space<vmem>>
    %dma_start3A_445 = arith.constant 640 : i32
    %dma_start3A_446 = tpu.memref_slice %arg6[%dma_start3A_445] : memref<10000xi32, #tpu.memory_space<vmem>> -> memref<80xi32, #tpu.memory_space<vmem>>
    %dma_start3A_447 = arith.constant 0 : i32
    %dma_start3A_448 = arith.constant 0 : i32
    %dma_start3A_449 = tpu.memref_slice %arg5[%dma_start3A_447, %dma_start3A_448] : memref<10000x128xf32, #tpu.memory_space<vmem_shared>> -> memref<10000x128xf32, #tpu.memory_space<vmem_shared>>
    tpu.enqueue_indirect_dma source(%dma_start3A_449 : memref<10000x128xf32, #tpu.memory_space<vmem_shared>>) target(%dma_start3A_444 : memref<80x128xf32, #tpu.memory_space<vmem>>) offsets(%dma_start3A_446 : memref<80xi32, #tpu.memory_space<vmem>>) semaphore(%arg8 : memref<!tpu.dma_semaphore, #tpu.memory_space<semaphore_mem>>)
    %dma_wait3A_450 = arith.constant 2 : i32
    %dma_wait3A_451 = arith.constant 0 : i32
    %dma_wait3A_452 = arith.constant 0 : i32
    %dma_wait3A_453 = tpu.memref_slice %arg7[%dma_wait3A_450, %dma_wait3A_451, %dma_wait3A_452] : memref<4x80x128xf32, #tpu.memory_space<vmem>> -> memref<1x80x128xf32, #tpu.memory_space<vmem>>
    %dma_wait3A_454 = tpu.memref_squeeze %dma_wait3A_453 : memref<1x80x128xf32, #tpu.memory_space<vmem>> -> memref<80x128xf32, #tpu.memory_space<vmem>>
    %dma_wait3A_455 = arith.constant 0 : i32
    %dma_wait3A_456 = arith.constant 0 : i32
    %dma_wait3A_457 = tpu.memref_slice %dma_wait3A_454[%dma_wait3A_455, %dma_wait3A_456] : memref<80x128xf32, #tpu.memory_space<vmem>> -> memref<80x128xf32, #tpu.memory_space<vmem>>
    %dma_wait3A_458 = arith.constant 480 : i32
    %dma_wait3A_459 = tpu.memref_slice %arg6[%dma_wait3A_458] : memref<10000xi32, #tpu.memory_space<vmem>> -> memref<80xi32, #tpu.memory_space<vmem>>
    %dma_wait3A_460 = arith.constant 0 : i32
    %dma_wait3A_461 = arith.constant 0 : i32
    %dma_wait3A_462 = tpu.memref_slice %arg2[%dma_wait3A_460, %dma_wait3A_461] : memref<10000x128xf32, #tpu.memory_space<hbm>> -> memref<10000x128xf32, #tpu.memory_space<hbm>>
    tpu.wait_indirect_dma semaphore(%arg10 : memref<!tpu.dma_semaphore, #tpu.memory_space<semaphore_mem>>) src(%dma_wait3A_462 : memref<10000x128xf32, #tpu.memory_space<hbm>>) dst(%dma_wait3A_457 : memref<80x128xf32, #tpu.memory_space<vmem>>)
    %add3A_463 = arith.constant 480 : i32
    %add3A_464 = arith.addi %mul3A_2, %add3A_463 : i32
    %dma_start3A_465 = arith.constant 2 : i32
    %dma_start3A_466 = arith.constant 0 : i32
    %dma_start3A_467 = arith.constant 0 : i32
    %dma_start3A_468 = tpu.memref_slice %arg7[%dma_start3A_465, %dma_start3A_466, %dma_start3A_467] : memref<4x80x128xf32, #tpu.memory_space<vmem>> -> memref<1x80x128xf32, #tpu.memory_space<vmem>>
    %dma_start3A_469 = tpu.memref_squeeze %dma_start3A_468 : memref<1x80x128xf32, #tpu.memory_space<vmem>> -> memref<80x128xf32, #tpu.memory_space<vmem>>
    %dma_start3A_470 = arith.constant 0 : i32
    %dma_start3A_471 = arith.constant 0 : i32
    %dma_start3A_472 = tpu.memref_slice %dma_start3A_469[%dma_start3A_470, %dma_start3A_471] : memref<80x128xf32, #tpu.memory_space<vmem>> -> memref<80x128xf32, #tpu.memory_space<vmem>>
    %dma_start3A_473 = arith.constant 0 : i32
    %dma_start3A_474 = tpu.memref_slice %arg4[%add3A_464, %dma_start3A_473] : memref<320000x128xf32, #tpu.memory_space<hbm>> -> memref<80x128xf32, #tpu.memory_space<hbm>>
    %dma_start3A_475 = arith.constant 0 : i32
    %dma_start3A_476 = tpu.memref_slice %arg4[%add3A_464, %dma_start3A_475] : memref<320000x128xf32, #tpu.memory_space<hbm>> -> memref<80x128xf32, #tpu.memory_space<hbm>>
    %dma_start3A_477 = arith.constant 0 : i32
    %dma_start3A_478 = arith.constant 0 : i32
    %dma_start3A_479 = tpu.memref_slice %arg7[%dma_start3A_465, %dma_start3A_477, %dma_start3A_478] : memref<4x80x128xf32, #tpu.memory_space<vmem>> -> memref<1x80x128xf32, #tpu.memory_space<vmem>>
    %dma_start3A_480 = tpu.memref_squeeze %dma_start3A_479 : memref<1x80x128xf32, #tpu.memory_space<vmem>> -> memref<80x128xf32, #tpu.memory_space<vmem>>
    %dma_start3A_481 = arith.constant 0 : i32
    %dma_start3A_482 = arith.constant 0 : i32
    %dma_start3A_483 = tpu.memref_slice %dma_start3A_480[%dma_start3A_481, %dma_start3A_482] : memref<80x128xf32, #tpu.memory_space<vmem>> -> memref<80x128xf32, #tpu.memory_space<vmem>>
    tpu.enqueue_dma source(%dma_start3A_483 : memref<80x128xf32, #tpu.memory_space<vmem>>) target(%dma_start3A_476 : memref<80x128xf32, #tpu.memory_space<hbm>>) target_semaphore(%arg14 : memref<!tpu.dma_semaphore, #tpu.memory_space<semaphore_mem>>)
    %add3A_484 = arith.constant 400 : i32
    %add3A_485 = arith.addi %mul3A_2, %add3A_484 : i32
    %dma_wait3A_486 = arith.constant 1 : i32
    %dma_wait3A_487 = arith.constant 0 : i32
    %dma_wait3A_488 = arith.constant 0 : i32
    %dma_wait3A_489 = tpu.memref_slice %arg7[%dma_wait3A_486, %dma_wait3A_487, %dma_wait3A_488] : memref<4x80x128xf32, #tpu.memory_space<vmem>> -> memref<1x80x128xf32, #tpu.memory_space<vmem>>
    %dma_wait3A_490 = tpu.memref_squeeze %dma_wait3A_489 : memref<1x80x128xf32, #tpu.memory_space<vmem>> -> memref<80x128xf32, #tpu.memory_space<vmem>>
    %dma_wait3A_491 = arith.constant 0 : i32
    %dma_wait3A_492 = arith.constant 0 : i32
    %dma_wait3A_493 = tpu.memref_slice %dma_wait3A_490[%dma_wait3A_491, %dma_wait3A_492] : memref<80x128xf32, #tpu.memory_space<vmem>> -> memref<80x128xf32, #tpu.memory_space<vmem>>
    %dma_wait3A_494 = arith.constant 0 : i32
    %dma_wait3A_495 = tpu.memref_slice %arg4[%add3A_485, %dma_wait3A_494] : memref<320000x128xf32, #tpu.memory_space<hbm>> -> memref<80x128xf32, #tpu.memory_space<hbm>>
    %dma_wait3A_496 = arith.constant 0 : i32
    %dma_wait3A_497 = tpu.memref_slice %arg4[%add3A_485, %dma_wait3A_496] : memref<320000x128xf32, #tpu.memory_space<hbm>> -> memref<80x128xf32, #tpu.memory_space<hbm>>
    %dma_wait3A_498 = arith.constant 0 : i32
    %dma_wait3A_499 = arith.constant 0 : i32
    %dma_wait3A_500 = tpu.memref_slice %arg7[%dma_wait3A_486, %dma_wait3A_498, %dma_wait3A_499] : memref<4x80x128xf32, #tpu.memory_space<vmem>> -> memref<1x80x128xf32, #tpu.memory_space<vmem>>
    %dma_wait3A_501 = tpu.memref_squeeze %dma_wait3A_500 : memref<1x80x128xf32, #tpu.memory_space<vmem>> -> memref<80x128xf32, #tpu.memory_space<vmem>>
    %dma_wait3A_502 = arith.constant 0 : i32
    %dma_wait3A_503 = arith.constant 0 : i32
    %dma_wait3A_504 = tpu.memref_slice %dma_wait3A_501[%dma_wait3A_502, %dma_wait3A_503] : memref<80x128xf32, #tpu.memory_space<vmem>> -> memref<80x128xf32, #tpu.memory_space<vmem>>
    tpu.wait_dma2 semaphore(%arg13 : memref<!tpu.dma_semaphore, #tpu.memory_space<semaphore_mem>>) src(%dma_wait3A_504 : memref<80x128xf32, #tpu.memory_space<vmem>>) dst(%dma_wait3A_497 : memref<80x128xf32, #tpu.memory_space<hbm>>)
    %dma_start3A_505 = arith.constant 1 : i32
    %dma_start3A_506 = arith.constant 0 : i32
    %dma_start3A_507 = arith.constant 0 : i32
    %dma_start3A_508 = tpu.memref_slice %arg7[%dma_start3A_505, %dma_start3A_506, %dma_start3A_507] : memref<4x80x128xf32, #tpu.memory_space<vmem>> -> memref<1x80x128xf32, #tpu.memory_space<vmem>>
    %dma_start3A_509 = tpu.memref_squeeze %dma_start3A_508 : memref<1x80x128xf32, #tpu.memory_space<vmem>> -> memref<80x128xf32, #tpu.memory_space<vmem>>
    %dma_start3A_510 = arith.constant 0 : i32
    %dma_start3A_511 = arith.constant 0 : i32
    %dma_start3A_512 = tpu.memref_slice %dma_start3A_509[%dma_start3A_510, %dma_start3A_511] : memref<80x128xf32, #tpu.memory_space<vmem>> -> memref<80x128xf32, #tpu.memory_space<vmem>>
    %dma_start3A_513 = arith.constant 720 : i32
    %dma_start3A_514 = tpu.memref_slice %arg6[%dma_start3A_513] : memref<10000xi32, #tpu.memory_space<vmem>> -> memref<80xi32, #tpu.memory_space<vmem>>
    %dma_start3A_515 = arith.constant 0 : i32
    %dma_start3A_516 = arith.constant 0 : i32
    %dma_start3A_517 = tpu.memref_slice %arg5[%dma_start3A_515, %dma_start3A_516] : memref<10000x128xf32, #tpu.memory_space<vmem_shared>> -> memref<10000x128xf32, #tpu.memory_space<vmem_shared>>
    tpu.enqueue_indirect_dma source(%dma_start3A_517 : memref<10000x128xf32, #tpu.memory_space<vmem_shared>>) target(%dma_start3A_512 : memref<80x128xf32, #tpu.memory_space<vmem>>) offsets(%dma_start3A_514 : memref<80xi32, #tpu.memory_space<vmem>>) semaphore(%arg9 : memref<!tpu.dma_semaphore, #tpu.memory_space<semaphore_mem>>)
    %dma_wait3A_518 = arith.constant 3 : i32
    %dma_wait3A_519 = arith.constant 0 : i32
    %dma_wait3A_520 = arith.constant 0 : i32
    %dma_wait3A_521 = tpu.memref_slice %arg7[%dma_wait3A_518, %dma_wait3A_519, %dma_wait3A_520] : memref<4x80x128xf32, #tpu.memory_space<vmem>> -> memref<1x80x128xf32, #tpu.memory_space<vmem>>
    %dma_wait3A_522 = tpu.memref_squeeze %dma_wait3A_521 : memref<1x80x128xf32, #tpu.memory_space<vmem>> -> memref<80x128xf32, #tpu.memory_space<vmem>>
    %dma_wait3A_523 = arith.constant 0 : i32
    %dma_wait3A_524 = arith.constant 0 : i32
    %dma_wait3A_525 = tpu.memref_slice %dma_wait3A_522[%dma_wait3A_523, %dma_wait3A_524] : memref<80x128xf32, #tpu.memory_space<vmem>> -> memref<80x128xf32, #tpu.memory_space<vmem>>
    %dma_wait3A_526 = arith.constant 560 : i32
    %dma_wait3A_527 = tpu.memref_slice %arg6[%dma_wait3A_526] : memref<10000xi32, #tpu.memory_space<vmem>> -> memref<80xi32, #tpu.memory_space<vmem>>
    %dma_wait3A_528 = arith.constant 0 : i32
    %dma_wait3A_529 = arith.constant 0 : i32
    %dma_wait3A_530 = tpu.memref_slice %arg2[%dma_wait3A_528, %dma_wait3A_529] : memref<10000x128xf32, #tpu.memory_space<hbm>> -> memref<10000x128xf32, #tpu.memory_space<hbm>>
    tpu.wait_indirect_dma semaphore(%arg11 : memref<!tpu.dma_semaphore, #tpu.memory_space<semaphore_mem>>) src(%dma_wait3A_530 : memref<10000x128xf32, #tpu.memory_space<hbm>>) dst(%dma_wait3A_525 : memref<80x128xf32, #tpu.memory_space<vmem>>)
    %add3A_531 = arith.constant 560 : i32
    %add3A_532 = arith.addi %mul3A_2, %add3A_531 : i32
    %dma_start3A_533 = arith.constant 3 : i32
    %dma_start3A_534 = arith.constant 0 : i32
    %dma_start3A_535 = arith.constant 0 : i32
    %dma_start3A_536 = tpu.memref_slice %arg7[%dma_start3A_533, %dma_start3A_534, %dma_start3A_535] : memref<4x80x128xf32, #tpu.memory_space<vmem>> -> memref<1x80x128xf32, #tpu.memory_space<vmem>>
    %dma_start3A_537 = tpu.memref_squeeze %dma_start3A_536 : memref<1x80x128xf32, #tpu.memory_space<vmem>> -> memref<80x128xf32, #tpu.memory_space<vmem>>
    %dma_start3A_538 = arith.constant 0 : i32
    %dma_start3A_539 = arith.constant 0 : i32
    %dma_start3A_540 = tpu.memref_slice %dma_start3A_537[%dma_start3A_538, %dma_start3A_539] : memref<80x128xf32, #tpu.memory_space<vmem>> -> memref<80x128xf32, #tpu.memory_space<vmem>>
    %dma_start3A_541 = arith.constant 0 : i32
    %dma_start3A_542 = tpu.memref_slice %arg4[%add3A_532, %dma_start3A_541] : memref<320000x128xf32, #tpu.memory_space<hbm>> -> memref<80x128xf32, #tpu.memory_space<hbm>>
    %dma_start3A_543 = arith.constant 0 : i32
    %dma_start3A_544 = tpu.memref_slice %arg4[%add3A_532, %dma_start3A_543] : memref<320000x128xf32, #tpu.memory_space<hbm>> -> memref<80x128xf32, #tpu.memory_space<hbm>>
    %dma_start3A_545 = arith.constant 0 : i32
    %dma_start3A_546 = arith.constant 0 : i32
    %dma_start3A_547 = tpu.memref_slice %arg7[%dma_start3A_533, %dma_start3A_545, %dma_start3A_546] : memref<4x80x128xf32, #tpu.memory_space<vmem>> -> memref<1x80x128xf32, #tpu.memory_space<vmem>>
    %dma_start3A_548 = tpu.memref_squeeze %dma_start3A_547 : memref<1x80x128xf32, #tpu.memory_space<vmem>> -> memref<80x128xf32, #tpu.memory_space<vmem>>
    %dma_start3A_549 = arith.constant 0 : i32
    %dma_start3A_550 = arith.constant 0 : i32
    %dma_start3A_551 = tpu.memref_slice %dma_start3A_548[%dma_start3A_549, %dma_start3A_550] : memref<80x128xf32, #tpu.memory_space<vmem>> -> memref<80x128xf32, #tpu.memory_space<vmem>>
    tpu.enqueue_dma source(%dma_start3A_551 : memref<80x128xf32, #tpu.memory_space<vmem>>) target(%dma_start3A_544 : memref<80x128xf32, #tpu.memory_space<hbm>>) target_semaphore(%arg15 : memref<!tpu.dma_semaphore, #tpu.memory_space<semaphore_mem>>)
    %scan3A = arith.constant 0 : i32
    %scan3A_552 = arith.constant 28 : i32
    %scan3A_553 = arith.addi %scan3A, %scan3A_552 : i32
    %scan3A_554 = arith.constant 1 : i32
    scf.for %scan3A_912 = %scan3A to %scan3A_553 step %scan3A_554  : i32 {
      %mul3A_913 = arith.constant 4 : i32
      %mul3A_914 = arith.muli %scan3A_912, %mul3A_913 : i32
      %add3A_915 = arith.constant 8 : i32
      %add3A_916 = arith.addi %add3A_915, %mul3A_914 : i32
      %add3A_917 = arith.constant 0 : i32
      %add3A_918 = arith.addi %add3A_916, %add3A_917 : i32
      %sub3A = arith.constant 2 : i32
      %sub3A_919 = arith.subi %add3A_918, %sub3A : i32
      %mul3A_920 = arith.constant 80 : i32
      %mul3A_921 = arith.muli %sub3A_919, %mul3A_920 : i32
      %add3A_922 = arith.addi %mul3A_2, %mul3A_921 : i32
      %dma_wait3A_923 = arith.constant 2 : i32
      %dma_wait3A_924 = arith.constant 0 : i32
      %dma_wait3A_925 = arith.constant 0 : i32
      %dma_wait3A_926 = tpu.memref_slice %arg7[%dma_wait3A_923, %dma_wait3A_924, %dma_wait3A_925] : memref<4x80x128xf32, #tpu.memory_space<vmem>> -> memref<1x80x128xf32, #tpu.memory_space<vmem>>
      %dma_wait3A_927 = tpu.memref_squeeze %dma_wait3A_926 : memref<1x80x128xf32, #tpu.memory_space<vmem>> -> memref<80x128xf32, #tpu.memory_space<vmem>>
      %dma_wait3A_928 = arith.constant 0 : i32
      %dma_wait3A_929 = arith.constant 0 : i32
      %dma_wait3A_930 = tpu.memref_slice %dma_wait3A_927[%dma_wait3A_928, %dma_wait3A_929] : memref<80x128xf32, #tpu.memory_space<vmem>> -> memref<80x128xf32, #tpu.memory_space<vmem>>
      %dma_wait3A_931 = arith.constant 0 : i32
      %dma_wait3A_932 = tpu.memref_slice %arg4[%add3A_922, %dma_wait3A_931] : memref<320000x128xf32, #tpu.memory_space<hbm>> -> memref<80x128xf32, #tpu.memory_space<hbm>>
      %dma_wait3A_933 = arith.constant 0 : i32
      %dma_wait3A_934 = tpu.memref_slice %arg4[%add3A_922, %dma_wait3A_933] : memref<320000x128xf32, #tpu.memory_space<hbm>> -> memref<80x128xf32, #tpu.memory_space<hbm>>
      %dma_wait3A_935 = arith.constant 0 : i32
      %dma_wait3A_936 = arith.constant 0 : i32
      %dma_wait3A_937 = tpu.memref_slice %arg7[%dma_wait3A_923, %dma_wait3A_935, %dma_wait3A_936] : memref<4x80x128xf32, #tpu.memory_space<vmem>> -> memref<1x80x128xf32, #tpu.memory_space<vmem>>
      %dma_wait3A_938 = tpu.memref_squeeze %dma_wait3A_937 : memref<1x80x128xf32, #tpu.memory_space<vmem>> -> memref<80x128xf32, #tpu.memory_space<vmem>>
      %dma_wait3A_939 = arith.constant 0 : i32
      %dma_wait3A_940 = arith.constant 0 : i32
      %dma_wait3A_941 = tpu.memref_slice %dma_wait3A_938[%dma_wait3A_939, %dma_wait3A_940] : memref<80x128xf32, #tpu.memory_space<vmem>> -> memref<80x128xf32, #tpu.memory_space<vmem>>
      tpu.wait_dma2 semaphore(%arg14 : memref<!tpu.dma_semaphore, #tpu.memory_space<semaphore_mem>>) src(%dma_wait3A_941 : memref<80x128xf32, #tpu.memory_space<vmem>>) dst(%dma_wait3A_934 : memref<80x128xf32, #tpu.memory_space<hbm>>)
      %add3A_942 = arith.constant 2 : i32
      %add3A_943 = arith.addi %add3A_918, %add3A_942 : i32
      %mul3A_944 = arith.constant 80 : i32
      %mul3A_945 = arith.muli %add3A_943, %mul3A_944 : i32
      %dma_start3A_946 = arith.constant 2 : i32
      %dma_start3A_947 = arith.constant 0 : i32
      %dma_start3A_948 = arith.constant 0 : i32
      %dma_start3A_949 = tpu.memref_slice %arg7[%dma_start3A_946, %dma_start3A_947, %dma_start3A_948] : memref<4x80x128xf32, #tpu.memory_space<vmem>> -> memref<1x80x128xf32, #tpu.memory_space<vmem>>
      %dma_start3A_950 = tpu.memref_squeeze %dma_start3A_949 : memref<1x80x128xf32, #tpu.memory_space<vmem>> -> memref<80x128xf32, #tpu.memory_space<vmem>>
      %dma_start3A_951 = arith.constant 0 : i32
      %dma_start3A_952 = arith.constant 0 : i32
      %dma_start3A_953 = tpu.memref_slice %dma_start3A_950[%dma_start3A_951, %dma_start3A_952] : memref<80x128xf32, #tpu.memory_space<vmem>> -> memref<80x128xf32, #tpu.memory_space<vmem>>
      %dma_start3A_954 = tpu.memref_slice %arg6[%mul3A_945] : memref<10000xi32, #tpu.memory_space<vmem>> -> memref<80xi32, #tpu.memory_space<vmem>>
      %dma_start3A_955 = arith.constant 0 : i32
      %dma_start3A_956 = arith.constant 0 : i32
      %dma_start3A_957 = tpu.memref_slice %arg5[%dma_start3A_955, %dma_start3A_956] : memref<10000x128xf32, #tpu.memory_space<vmem_shared>> -> memref<10000x128xf32, #tpu.memory_space<vmem_shared>>
      tpu.enqueue_indirect_dma source(%dma_start3A_957 : memref<10000x128xf32, #tpu.memory_space<vmem_shared>>) target(%dma_start3A_953 : memref<80x128xf32, #tpu.memory_space<vmem>>) offsets(%dma_start3A_954 : memref<80xi32, #tpu.memory_space<vmem>>) semaphore(%arg10 : memref<!tpu.dma_semaphore, #tpu.memory_space<semaphore_mem>>)
      %mul3A_958 = arith.constant 80 : i32
      %mul3A_959 = arith.muli %add3A_918, %mul3A_958 : i32
      %dma_wait3A_960 = arith.constant 0 : i32
      %dma_wait3A_961 = arith.constant 0 : i32
      %dma_wait3A_962 = arith.constant 0 : i32
      %dma_wait3A_963 = tpu.memref_slice %arg7[%dma_wait3A_960, %dma_wait3A_961, %dma_wait3A_962] : memref<4x80x128xf32, #tpu.memory_space<vmem>> -> memref<1x80x128xf32, #tpu.memory_space<vmem>>
      %dma_wait3A_964 = tpu.memref_squeeze %dma_wait3A_963 : memref<1x80x128xf32, #tpu.memory_space<vmem>> -> memref<80x128xf32, #tpu.memory_space<vmem>>
      %dma_wait3A_965 = arith.constant 0 : i32
      %dma_wait3A_966 = arith.constant 0 : i32
      %dma_wait3A_967 = tpu.memref_slice %dma_wait3A_964[%dma_wait3A_965, %dma_wait3A_966] : memref<80x128xf32, #tpu.memory_space<vmem>> -> memref<80x128xf32, #tpu.memory_space<vmem>>
      %dma_wait3A_968 = tpu.memref_slice %arg6[%mul3A_959] : memref<10000xi32, #tpu.memory_space<vmem>> -> memref<80xi32, #tpu.memory_space<vmem>>
      %dma_wait3A_969 = arith.constant 0 : i32
      %dma_wait3A_970 = arith.constant 0 : i32
      %dma_wait3A_971 = tpu.memref_slice %arg5[%dma_wait3A_969, %dma_wait3A_970] : memref<10000x128xf32, #tpu.memory_space<vmem_shared>> -> memref<10000x128xf32, #tpu.memory_space<vmem_shared>>
      tpu.wait_indirect_dma semaphore(%arg8 : memref<!tpu.dma_semaphore, #tpu.memory_space<semaphore_mem>>) src(%dma_wait3A_971 : memref<10000x128xf32, #tpu.memory_space<vmem_shared>>) dst(%dma_wait3A_967 : memref<80x128xf32, #tpu.memory_space<vmem>>)
      %mul3A_972 = arith.constant 80 : i32
      %mul3A_973 = arith.muli %add3A_918, %mul3A_972 : i32
      %add3A_974 = arith.addi %mul3A_2, %mul3A_973 : i32
      %dma_start3A_975 = arith.constant 0 : i32
      %dma_start3A_976 = arith.constant 0 : i32
      %dma_start3A_977 = arith.constant 0 : i32
      %dma_start3A_978 = tpu.memref_slice %arg7[%dma_start3A_975, %dma_start3A_976, %dma_start3A_977] : memref<4x80x128xf32, #tpu.memory_space<vmem>> -> memref<1x80x128xf32, #tpu.memory_space<vmem>>
      %dma_start3A_979 = tpu.memref_squeeze %dma_start3A_978 : memref<1x80x128xf32, #tpu.memory_space<vmem>> -> memref<80x128xf32, #tpu.memory_space<vmem>>
      %dma_start3A_980 = arith.constant 0 : i32
      %dma_start3A_981 = arith.constant 0 : i32
      %dma_start3A_982 = tpu.memref_slice %dma_start3A_979[%dma_start3A_980, %dma_start3A_981] : memref<80x128xf32, #tpu.memory_space<vmem>> -> memref<80x128xf32, #tpu.memory_space<vmem>>
      %dma_start3A_983 = arith.constant 0 : i32
      %dma_start3A_984 = tpu.memref_slice %arg4[%add3A_974, %dma_start3A_983] : memref<320000x128xf32, #tpu.memory_space<hbm>> -> memref<80x128xf32, #tpu.memory_space<hbm>>
      %dma_start3A_985 = arith.constant 0 : i32
      %dma_start3A_986 = tpu.memref_slice %arg4[%add3A_974, %dma_start3A_985] : memref<320000x128xf32, #tpu.memory_space<hbm>> -> memref<80x128xf32, #tpu.memory_space<hbm>>
      %dma_start3A_987 = arith.constant 0 : i32
      %dma_start3A_988 = arith.constant 0 : i32
      %dma_start3A_989 = tpu.memref_slice %arg7[%dma_start3A_975, %dma_start3A_987, %dma_start3A_988] : memref<4x80x128xf32, #tpu.memory_space<vmem>> -> memref<1x80x128xf32, #tpu.memory_space<vmem>>
      %dma_start3A_990 = tpu.memref_squeeze %dma_start3A_989 : memref<1x80x128xf32, #tpu.memory_space<vmem>> -> memref<80x128xf32, #tpu.memory_space<vmem>>
      %dma_start3A_991 = arith.constant 0 : i32
      %dma_start3A_992 = arith.constant 0 : i32
      %dma_start3A_993 = tpu.memref_slice %dma_start3A_990[%dma_start3A_991, %dma_start3A_992] : memref<80x128xf32, #tpu.memory_space<vmem>> -> memref<80x128xf32, #tpu.memory_space<vmem>>
      tpu.enqueue_dma source(%dma_start3A_993 : memref<80x128xf32, #tpu.memory_space<vmem>>) target(%dma_start3A_986 : memref<80x128xf32, #tpu.memory_space<hbm>>) target_semaphore(%arg12 : memref<!tpu.dma_semaphore, #tpu.memory_space<semaphore_mem>>)
      %add3A_994 = arith.constant 1 : i32
      %add3A_995 = arith.addi %add3A_916, %add3A_994 : i32
      %sub3A_996 = arith.constant 2 : i32
      %sub3A_997 = arith.subi %add3A_995, %sub3A_996 : i32
      %mul3A_998 = arith.constant 80 : i32
      %mul3A_999 = arith.muli %sub3A_997, %mul3A_998 : i32
      %add3A_1000 = arith.addi %mul3A_2, %mul3A_999 : i32
      %dma_wait3A_1001 = arith.constant 3 : i32
      %dma_wait3A_1002 = arith.constant 0 : i32
      %dma_wait3A_1003 = arith.constant 0 : i32
      %dma_wait3A_1004 = tpu.memref_slice %arg7[%dma_wait3A_1001, %dma_wait3A_1002, %dma_wait3A_1003] : memref<4x80x128xf32, #tpu.memory_space<vmem>> -> memref<1x80x128xf32, #tpu.memory_space<vmem>>
      %dma_wait3A_1005 = tpu.memref_squeeze %dma_wait3A_1004 : memref<1x80x128xf32, #tpu.memory_space<vmem>> -> memref<80x128xf32, #tpu.memory_space<vmem>>
      %dma_wait3A_1006 = arith.constant 0 : i32
      %dma_wait3A_1007 = arith.constant 0 : i32
      %dma_wait3A_1008 = tpu.memref_slice %dma_wait3A_1005[%dma_wait3A_1006, %dma_wait3A_1007] : memref<80x128xf32, #tpu.memory_space<vmem>> -> memref<80x128xf32, #tpu.memory_space<vmem>>
      %dma_wait3A_1009 = arith.constant 0 : i32
      %dma_wait3A_1010 = tpu.memref_slice %arg4[%add3A_1000, %dma_wait3A_1009] : memref<320000x128xf32, #tpu.memory_space<hbm>> -> memref<80x128xf32, #tpu.memory_space<hbm>>
      %dma_wait3A_1011 = arith.constant 0 : i32
      %dma_wait3A_1012 = tpu.memref_slice %arg4[%add3A_1000, %dma_wait3A_1011] : memref<320000x128xf32, #tpu.memory_space<hbm>> -> memref<80x128xf32, #tpu.memory_space<hbm>>
      %dma_wait3A_1013 = arith.constant 0 : i32
      %dma_wait3A_1014 = arith.constant 0 : i32
      %dma_wait3A_1015 = tpu.memref_slice %arg7[%dma_wait3A_1001, %dma_wait3A_1013, %dma_wait3A_1014] : memref<4x80x128xf32, #tpu.memory_space<vmem>> -> memref<1x80x128xf32, #tpu.memory_space<vmem>>
      %dma_wait3A_1016 = tpu.memref_squeeze %dma_wait3A_1015 : memref<1x80x128xf32, #tpu.memory_space<vmem>> -> memref<80x128xf32, #tpu.memory_space<vmem>>
      %dma_wait3A_1017 = arith.constant 0 : i32
      %dma_wait3A_1018 = arith.constant 0 : i32
      %dma_wait3A_1019 = tpu.memref_slice %dma_wait3A_1016[%dma_wait3A_1017, %dma_wait3A_1018] : memref<80x128xf32, #tpu.memory_space<vmem>> -> memref<80x128xf32, #tpu.memory_space<vmem>>
      tpu.wait_dma2 semaphore(%arg15 : memref<!tpu.dma_semaphore, #tpu.memory_space<semaphore_mem>>) src(%dma_wait3A_1019 : memref<80x128xf32, #tpu.memory_space<vmem>>) dst(%dma_wait3A_1012 : memref<80x128xf32, #tpu.memory_space<hbm>>)
      %add3A_1020 = arith.constant 2 : i32
      %add3A_1021 = arith.addi %add3A_995, %add3A_1020 : i32
      %mul3A_1022 = arith.constant 80 : i32
      %mul3A_1023 = arith.muli %add3A_1021, %mul3A_1022 : i32
      %dma_start3A_1024 = arith.constant 3 : i32
      %dma_start3A_1025 = arith.constant 0 : i32
      %dma_start3A_1026 = arith.constant 0 : i32
      %dma_start3A_1027 = tpu.memref_slice %arg7[%dma_start3A_1024, %dma_start3A_1025, %dma_start3A_1026] : memref<4x80x128xf32, #tpu.memory_space<vmem>> -> memref<1x80x128xf32, #tpu.memory_space<vmem>>
      %dma_start3A_1028 = tpu.memref_squeeze %dma_start3A_1027 : memref<1x80x128xf32, #tpu.memory_space<vmem>> -> memref<80x128xf32, #tpu.memory_space<vmem>>
      %dma_start3A_1029 = arith.constant 0 : i32
      %dma_start3A_1030 = arith.constant 0 : i32
      %dma_start3A_1031 = tpu.memref_slice %dma_start3A_1028[%dma_start3A_1029, %dma_start3A_1030] : memref<80x128xf32, #tpu.memory_space<vmem>> -> memref<80x128xf32, #tpu.memory_space<vmem>>
      %dma_start3A_1032 = tpu.memref_slice %arg6[%mul3A_1023] : memref<10000xi32, #tpu.memory_space<vmem>> -> memref<80xi32, #tpu.memory_space<vmem>>
      %dma_start3A_1033 = arith.constant 0 : i32
      %dma_start3A_1034 = arith.constant 0 : i32
      %dma_start3A_1035 = tpu.memref_slice %arg5[%dma_start3A_1033, %dma_start3A_1034] : memref<10000x128xf32, #tpu.memory_space<vmem_shared>> -> memref<10000x128xf32, #tpu.memory_space<vmem_shared>>
      tpu.enqueue_indirect_dma source(%dma_start3A_1035 : memref<10000x128xf32, #tpu.memory_space<vmem_shared>>) target(%dma_start3A_1031 : memref<80x128xf32, #tpu.memory_space<vmem>>) offsets(%dma_start3A_1032 : memref<80xi32, #tpu.memory_space<vmem>>) semaphore(%arg11 : memref<!tpu.dma_semaphore, #tpu.memory_space<semaphore_mem>>)
      %mul3A_1036 = arith.constant 80 : i32
      %mul3A_1037 = arith.muli %add3A_995, %mul3A_1036 : i32
      %dma_wait3A_1038 = arith.constant 1 : i32
      %dma_wait3A_1039 = arith.constant 0 : i32
      %dma_wait3A_1040 = arith.constant 0 : i32
      %dma_wait3A_1041 = tpu.memref_slice %arg7[%dma_wait3A_1038, %dma_wait3A_1039, %dma_wait3A_1040] : memref<4x80x128xf32, #tpu.memory_space<vmem>> -> memref<1x80x128xf32, #tpu.memory_space<vmem>>
      %dma_wait3A_1042 = tpu.memref_squeeze %dma_wait3A_1041 : memref<1x80x128xf32, #tpu.memory_space<vmem>> -> memref<80x128xf32, #tpu.memory_space<vmem>>
      %dma_wait3A_1043 = arith.constant 0 : i32
      %dma_wait3A_1044 = arith.constant 0 : i32
      %dma_wait3A_1045 = tpu.memref_slice %dma_wait3A_1042[%dma_wait3A_1043, %dma_wait3A_1044] : memref<80x128xf32, #tpu.memory_space<vmem>> -> memref<80x128xf32, #tpu.memory_space<vmem>>
      %dma_wait3A_1046 = tpu.memref_slice %arg6[%mul3A_1037] : memref<10000xi32, #tpu.memory_space<vmem>> -> memref<80xi32, #tpu.memory_space<vmem>>
      %dma_wait3A_1047 = arith.constant 0 : i32
      %dma_wait3A_1048 = arith.constant 0 : i32
      %dma_wait3A_1049 = tpu.memref_slice %arg5[%dma_wait3A_1047, %dma_wait3A_1048] : memref<10000x128xf32, #tpu.memory_space<vmem_shared>> -> memref<10000x128xf32, #tpu.memory_space<vmem_shared>>
      tpu.wait_indirect_dma semaphore(%arg9 : memref<!tpu.dma_semaphore, #tpu.memory_space<semaphore_mem>>) src(%dma_wait3A_1049 : memref<10000x128xf32, #tpu.memory_space<vmem_shared>>) dst(%dma_wait3A_1045 : memref<80x128xf32, #tpu.memory_space<vmem>>)
      %mul3A_1050 = arith.constant 80 : i32
      %mul3A_1051 = arith.muli %add3A_995, %mul3A_1050 : i32
      %add3A_1052 = arith.addi %mul3A_2, %mul3A_1051 : i32
      %dma_start3A_1053 = arith.constant 1 : i32
      %dma_start3A_1054 = arith.constant 0 : i32
      %dma_start3A_1055 = arith.constant 0 : i32
      %dma_start3A_1056 = tpu.memref_slice %arg7[%dma_start3A_1053, %dma_start3A_1054, %dma_start3A_1055] : memref<4x80x128xf32, #tpu.memory_space<vmem>> -> memref<1x80x128xf32, #tpu.memory_space<vmem>>
      %dma_start3A_1057 = tpu.memref_squeeze %dma_start3A_1056 : memref<1x80x128xf32, #tpu.memory_space<vmem>> -> memref<80x128xf32, #tpu.memory_space<vmem>>
      %dma_start3A_1058 = arith.constant 0 : i32
      %dma_start3A_1059 = arith.constant 0 : i32
      %dma_start3A_1060 = tpu.memref_slice %dma_start3A_1057[%dma_start3A_1058, %dma_start3A_1059] : memref<80x128xf32, #tpu.memory_space<vmem>> -> memref<80x128xf32, #tpu.memory_space<vmem>>
      %dma_start3A_1061 = arith.constant 0 : i32
      %dma_start3A_1062 = tpu.memref_slice %arg4[%add3A_1052, %dma_start3A_1061] : memref<320000x128xf32, #tpu.memory_space<hbm>> -> memref<80x128xf32, #tpu.memory_space<hbm>>
      %dma_start3A_1063 = arith.constant 0 : i32
      %dma_start3A_1064 = tpu.memref_slice %arg4[%add3A_1052, %dma_start3A_1063] : memref<320000x128xf32, #tpu.memory_space<hbm>> -> memref<80x128xf32, #tpu.memory_space<hbm>>
      %dma_start3A_1065 = arith.constant 0 : i32
      %dma_start3A_1066 = arith.constant 0 : i32
      %dma_start3A_1067 = tpu.memref_slice %arg7[%dma_start3A_1053, %dma_start3A_1065, %dma_start3A_1066] : memref<4x80x128xf32, #tpu.memory_space<vmem>> -> memref<1x80x128xf32, #tpu.memory_space<vmem>>
      %dma_start3A_1068 = tpu.memref_squeeze %dma_start3A_1067 : memref<1x80x128xf32, #tpu.memory_space<vmem>> -> memref<80x128xf32, #tpu.memory_space<vmem>>
      %dma_start3A_1069 = arith.constant 0 : i32
      %dma_start3A_1070 = arith.constant 0 : i32
      %dma_start3A_1071 = tpu.memref_slice %dma_start3A_1068[%dma_start3A_1069, %dma_start3A_1070] : memref<80x128xf32, #tpu.memory_space<vmem>> -> memref<80x128xf32, #tpu.memory_space<vmem>>
      tpu.enqueue_dma source(%dma_start3A_1071 : memref<80x128xf32, #tpu.memory_space<vmem>>) target(%dma_start3A_1064 : memref<80x128xf32, #tpu.memory_space<hbm>>) target_semaphore(%arg13 : memref<!tpu.dma_semaphore, #tpu.memory_space<semaphore_mem>>)
      %add3A_1072 = arith.constant 2 : i32
      %add3A_1073 = arith.addi %add3A_916, %add3A_1072 : i32
      %sub3A_1074 = arith.constant 2 : i32
      %sub3A_1075 = arith.subi %add3A_1073, %sub3A_1074 : i32
      %mul3A_1076 = arith.constant 80 : i32
      %mul3A_1077 = arith.muli %sub3A_1075, %mul3A_1076 : i32
      %add3A_1078 = arith.addi %mul3A_2, %mul3A_1077 : i32
      %dma_wait3A_1079 = arith.constant 0 : i32
      %dma_wait3A_1080 = arith.constant 0 : i32
      %dma_wait3A_1081 = arith.constant 0 : i32
      %dma_wait3A_1082 = tpu.memref_slice %arg7[%dma_wait3A_1079, %dma_wait3A_1080, %dma_wait3A_1081] : memref<4x80x128xf32, #tpu.memory_space<vmem>> -> memref<1x80x128xf32, #tpu.memory_space<vmem>>
      %dma_wait3A_1083 = tpu.memref_squeeze %dma_wait3A_1082 : memref<1x80x128xf32, #tpu.memory_space<vmem>> -> memref<80x128xf32, #tpu.memory_space<vmem>>
      %dma_wait3A_1084 = arith.constant 0 : i32
      %dma_wait3A_1085 = arith.constant 0 : i32
      %dma_wait3A_1086 = tpu.memref_slice %dma_wait3A_1083[%dma_wait3A_1084, %dma_wait3A_1085] : memref<80x128xf32, #tpu.memory_space<vmem>> -> memref<80x128xf32, #tpu.memory_space<vmem>>
      %dma_wait3A_1087 = arith.constant 0 : i32
      %dma_wait3A_1088 = tpu.memref_slice %arg4[%add3A_1078, %dma_wait3A_1087] : memref<320000x128xf32, #tpu.memory_space<hbm>> -> memref<80x128xf32, #tpu.memory_space<hbm>>
      %dma_wait3A_1089 = arith.constant 0 : i32
      %dma_wait3A_1090 = tpu.memref_slice %arg4[%add3A_1078, %dma_wait3A_1089] : memref<320000x128xf32, #tpu.memory_space<hbm>> -> memref<80x128xf32, #tpu.memory_space<hbm>>
      %dma_wait3A_1091 = arith.constant 0 : i32
      %dma_wait3A_1092 = arith.constant 0 : i32
      %dma_wait3A_1093 = tpu.memref_slice %arg7[%dma_wait3A_1079, %dma_wait3A_1091, %dma_wait3A_1092] : memref<4x80x128xf32, #tpu.memory_space<vmem>> -> memref<1x80x128xf32, #tpu.memory_space<vmem>>
      %dma_wait3A_1094 = tpu.memref_squeeze %dma_wait3A_1093 : memref<1x80x128xf32, #tpu.memory_space<vmem>> -> memref<80x128xf32, #tpu.memory_space<vmem>>
      %dma_wait3A_1095 = arith.constant 0 : i32
      %dma_wait3A_1096 = arith.constant 0 : i32
      %dma_wait3A_1097 = tpu.memref_slice %dma_wait3A_1094[%dma_wait3A_1095, %dma_wait3A_1096] : memref<80x128xf32, #tpu.memory_space<vmem>> -> memref<80x128xf32, #tpu.memory_space<vmem>>
      tpu.wait_dma2 semaphore(%arg12 : memref<!tpu.dma_semaphore, #tpu.memory_space<semaphore_mem>>) src(%dma_wait3A_1097 : memref<80x128xf32, #tpu.memory_space<vmem>>) dst(%dma_wait3A_1090 : memref<80x128xf32, #tpu.memory_space<hbm>>)
      %add3A_1098 = arith.constant 2 : i32
      %add3A_1099 = arith.addi %add3A_1073, %add3A_1098 : i32
      %mul3A_1100 = arith.constant 80 : i32
      %mul3A_1101 = arith.muli %add3A_1099, %mul3A_1100 : i32
      %dma_start3A_1102 = arith.constant 0 : i32
      %dma_start3A_1103 = arith.constant 0 : i32
      %dma_start3A_1104 = arith.constant 0 : i32
      %dma_start3A_1105 = tpu.memref_slice %arg7[%dma_start3A_1102, %dma_start3A_1103, %dma_start3A_1104] : memref<4x80x128xf32, #tpu.memory_space<vmem>> -> memref<1x80x128xf32, #tpu.memory_space<vmem>>
      %dma_start3A_1106 = tpu.memref_squeeze %dma_start3A_1105 : memref<1x80x128xf32, #tpu.memory_space<vmem>> -> memref<80x128xf32, #tpu.memory_space<vmem>>
      %dma_start3A_1107 = arith.constant 0 : i32
      %dma_start3A_1108 = arith.constant 0 : i32
      %dma_start3A_1109 = tpu.memref_slice %dma_start3A_1106[%dma_start3A_1107, %dma_start3A_1108] : memref<80x128xf32, #tpu.memory_space<vmem>> -> memref<80x128xf32, #tpu.memory_space<vmem>>
      %dma_start3A_1110 = tpu.memref_slice %arg6[%mul3A_1101] : memref<10000xi32, #tpu.memory_space<vmem>> -> memref<80xi32, #tpu.memory_space<vmem>>
      %dma_start3A_1111 = arith.constant 0 : i32
      %dma_start3A_1112 = arith.constant 0 : i32
      %dma_start3A_1113 = tpu.memref_slice %arg5[%dma_start3A_1111, %dma_start3A_1112] : memref<10000x128xf32, #tpu.memory_space<vmem_shared>> -> memref<10000x128xf32, #tpu.memory_space<vmem_shared>>
      tpu.enqueue_indirect_dma source(%dma_start3A_1113 : memref<10000x128xf32, #tpu.memory_space<vmem_shared>>) target(%dma_start3A_1109 : memref<80x128xf32, #tpu.memory_space<vmem>>) offsets(%dma_start3A_1110 : memref<80xi32, #tpu.memory_space<vmem>>) semaphore(%arg8 : memref<!tpu.dma_semaphore, #tpu.memory_space<semaphore_mem>>)
      %mul3A_1114 = arith.constant 80 : i32
      %mul3A_1115 = arith.muli %add3A_1073, %mul3A_1114 : i32
      %dma_wait3A_1116 = arith.constant 2 : i32
      %dma_wait3A_1117 = arith.constant 0 : i32
      %dma_wait3A_1118 = arith.constant 0 : i32
      %dma_wait3A_1119 = tpu.memref_slice %arg7[%dma_wait3A_1116, %dma_wait3A_1117, %dma_wait3A_1118] : memref<4x80x128xf32, #tpu.memory_space<vmem>> -> memref<1x80x128xf32, #tpu.memory_space<vmem>>
      %dma_wait3A_1120 = tpu.memref_squeeze %dma_wait3A_1119 : memref<1x80x128xf32, #tpu.memory_space<vmem>> -> memref<80x128xf32, #tpu.memory_space<vmem>>
      %dma_wait3A_1121 = arith.constant 0 : i32
      %dma_wait3A_1122 = arith.constant 0 : i32
      %dma_wait3A_1123 = tpu.memref_slice %dma_wait3A_1120[%dma_wait3A_1121, %dma_wait3A_1122] : memref<80x128xf32, #tpu.memory_space<vmem>> -> memref<80x128xf32, #tpu.memory_space<vmem>>
      %dma_wait3A_1124 = tpu.memref_slice %arg6[%mul3A_1115] : memref<10000xi32, #tpu.memory_space<vmem>> -> memref<80xi32, #tpu.memory_space<vmem>>
      %dma_wait3A_1125 = arith.constant 0 : i32
      %dma_wait3A_1126 = arith.constant 0 : i32
      %dma_wait3A_1127 = tpu.memref_slice %arg5[%dma_wait3A_1125, %dma_wait3A_1126] : memref<10000x128xf32, #tpu.memory_space<vmem_shared>> -> memref<10000x128xf32, #tpu.memory_space<vmem_shared>>
      tpu.wait_indirect_dma semaphore(%arg10 : memref<!tpu.dma_semaphore, #tpu.memory_space<semaphore_mem>>) src(%dma_wait3A_1127 : memref<10000x128xf32, #tpu.memory_space<vmem_shared>>) dst(%dma_wait3A_1123 : memref<80x128xf32, #tpu.memory_space<vmem>>)
      %mul3A_1128 = arith.constant 80 : i32
      %mul3A_1129 = arith.muli %add3A_1073, %mul3A_1128 : i32
      %add3A_1130 = arith.addi %mul3A_2, %mul3A_1129 : i32
      %dma_start3A_1131 = arith.constant 2 : i32
      %dma_start3A_1132 = arith.constant 0 : i32
      %dma_start3A_1133 = arith.constant 0 : i32
      %dma_start3A_1134 = tpu.memref_slice %arg7[%dma_start3A_1131, %dma_start3A_1132, %dma_start3A_1133] : memref<4x80x128xf32, #tpu.memory_space<vmem>> -> memref<1x80x128xf32, #tpu.memory_space<vmem>>
      %dma_start3A_1135 = tpu.memref_squeeze %dma_start3A_1134 : memref<1x80x128xf32, #tpu.memory_space<vmem>> -> memref<80x128xf32, #tpu.memory_space<vmem>>
      %dma_start3A_1136 = arith.constant 0 : i32
      %dma_start3A_1137 = arith.constant 0 : i32
      %dma_start3A_1138 = tpu.memref_slice %dma_start3A_1135[%dma_start3A_1136, %dma_start3A_1137] : memref<80x128xf32, #tpu.memory_space<vmem>> -> memref<80x128xf32, #tpu.memory_space<vmem>>
      %dma_start3A_1139 = arith.constant 0 : i32
      %dma_start3A_1140 = tpu.memref_slice %arg4[%add3A_1130, %dma_start3A_1139] : memref<320000x128xf32, #tpu.memory_space<hbm>> -> memref<80x128xf32, #tpu.memory_space<hbm>>
      %dma_start3A_1141 = arith.constant 0 : i32
      %dma_start3A_1142 = tpu.memref_slice %arg4[%add3A_1130, %dma_start3A_1141] : memref<320000x128xf32, #tpu.memory_space<hbm>> -> memref<80x128xf32, #tpu.memory_space<hbm>>
      %dma_start3A_1143 = arith.constant 0 : i32
      %dma_start3A_1144 = arith.constant 0 : i32
      %dma_start3A_1145 = tpu.memref_slice %arg7[%dma_start3A_1131, %dma_start3A_1143, %dma_start3A_1144] : memref<4x80x128xf32, #tpu.memory_space<vmem>> -> memref<1x80x128xf32, #tpu.memory_space<vmem>>
      %dma_start3A_1146 = tpu.memref_squeeze %dma_start3A_1145 : memref<1x80x128xf32, #tpu.memory_space<vmem>> -> memref<80x128xf32, #tpu.memory_space<vmem>>
      %dma_start3A_1147 = arith.constant 0 : i32
      %dma_start3A_1148 = arith.constant 0 : i32
      %dma_start3A_1149 = tpu.memref_slice %dma_start3A_1146[%dma_start3A_1147, %dma_start3A_1148] : memref<80x128xf32, #tpu.memory_space<vmem>> -> memref<80x128xf32, #tpu.memory_space<vmem>>
      tpu.enqueue_dma source(%dma_start3A_1149 : memref<80x128xf32, #tpu.memory_space<vmem>>) target(%dma_start3A_1142 : memref<80x128xf32, #tpu.memory_space<hbm>>) target_semaphore(%arg14 : memref<!tpu.dma_semaphore, #tpu.memory_space<semaphore_mem>>)
      %add3A_1150 = arith.constant 3 : i32
      %add3A_1151 = arith.addi %add3A_916, %add3A_1150 : i32
      %sub3A_1152 = arith.constant 2 : i32
      %sub3A_1153 = arith.subi %add3A_1151, %sub3A_1152 : i32
      %mul3A_1154 = arith.constant 80 : i32
      %mul3A_1155 = arith.muli %sub3A_1153, %mul3A_1154 : i32
      %add3A_1156 = arith.addi %mul3A_2, %mul3A_1155 : i32
      %dma_wait3A_1157 = arith.constant 1 : i32
      %dma_wait3A_1158 = arith.constant 0 : i32
      %dma_wait3A_1159 = arith.constant 0 : i32
      %dma_wait3A_1160 = tpu.memref_slice %arg7[%dma_wait3A_1157, %dma_wait3A_1158, %dma_wait3A_1159] : memref<4x80x128xf32, #tpu.memory_space<vmem>> -> memref<1x80x128xf32, #tpu.memory_space<vmem>>
      %dma_wait3A_1161 = tpu.memref_squeeze %dma_wait3A_1160 : memref<1x80x128xf32, #tpu.memory_space<vmem>> -> memref<80x128xf32, #tpu.memory_space<vmem>>
      %dma_wait3A_1162 = arith.constant 0 : i32
      %dma_wait3A_1163 = arith.constant 0 : i32
      %dma_wait3A_1164 = tpu.memref_slice %dma_wait3A_1161[%dma_wait3A_1162, %dma_wait3A_1163] : memref<80x128xf32, #tpu.memory_space<vmem>> -> memref<80x128xf32, #tpu.memory_space<vmem>>
      %dma_wait3A_1165 = arith.constant 0 : i32
      %dma_wait3A_1166 = tpu.memref_slice %arg4[%add3A_1156, %dma_wait3A_1165] : memref<320000x128xf32, #tpu.memory_space<hbm>> -> memref<80x128xf32, #tpu.memory_space<hbm>>
      %dma_wait3A_1167 = arith.constant 0 : i32
      %dma_wait3A_1168 = tpu.memref_slice %arg4[%add3A_1156, %dma_wait3A_1167] : memref<320000x128xf32, #tpu.memory_space<hbm>> -> memref<80x128xf32, #tpu.memory_space<hbm>>
      %dma_wait3A_1169 = arith.constant 0 : i32
      %dma_wait3A_1170 = arith.constant 0 : i32
      %dma_wait3A_1171 = tpu.memref_slice %arg7[%dma_wait3A_1157, %dma_wait3A_1169, %dma_wait3A_1170] : memref<4x80x128xf32, #tpu.memory_space<vmem>> -> memref<1x80x128xf32, #tpu.memory_space<vmem>>
      %dma_wait3A_1172 = tpu.memref_squeeze %dma_wait3A_1171 : memref<1x80x128xf32, #tpu.memory_space<vmem>> -> memref<80x128xf32, #tpu.memory_space<vmem>>
      %dma_wait3A_1173 = arith.constant 0 : i32
      %dma_wait3A_1174 = arith.constant 0 : i32
      %dma_wait3A_1175 = tpu.memref_slice %dma_wait3A_1172[%dma_wait3A_1173, %dma_wait3A_1174] : memref<80x128xf32, #tpu.memory_space<vmem>> -> memref<80x128xf32, #tpu.memory_space<vmem>>
      tpu.wait_dma2 semaphore(%arg13 : memref<!tpu.dma_semaphore, #tpu.memory_space<semaphore_mem>>) src(%dma_wait3A_1175 : memref<80x128xf32, #tpu.memory_space<vmem>>) dst(%dma_wait3A_1168 : memref<80x128xf32, #tpu.memory_space<hbm>>)
      %add3A_1176 = arith.constant 2 : i32
      %add3A_1177 = arith.addi %add3A_1151, %add3A_1176 : i32
      %mul3A_1178 = arith.constant 80 : i32
      %mul3A_1179 = arith.muli %add3A_1177, %mul3A_1178 : i32
      %dma_start3A_1180 = arith.constant 1 : i32
      %dma_start3A_1181 = arith.constant 0 : i32
      %dma_start3A_1182 = arith.constant 0 : i32
      %dma_start3A_1183 = tpu.memref_slice %arg7[%dma_start3A_1180, %dma_start3A_1181, %dma_start3A_1182] : memref<4x80x128xf32, #tpu.memory_space<vmem>> -> memref<1x80x128xf32, #tpu.memory_space<vmem>>
      %dma_start3A_1184 = tpu.memref_squeeze %dma_start3A_1183 : memref<1x80x128xf32, #tpu.memory_space<vmem>> -> memref<80x128xf32, #tpu.memory_space<vmem>>
      %dma_start3A_1185 = arith.constant 0 : i32
      %dma_start3A_1186 = arith.constant 0 : i32
      %dma_start3A_1187 = tpu.memref_slice %dma_start3A_1184[%dma_start3A_1185, %dma_start3A_1186] : memref<80x128xf32, #tpu.memory_space<vmem>> -> memref<80x128xf32, #tpu.memory_space<vmem>>
      %dma_start3A_1188 = tpu.memref_slice %arg6[%mul3A_1179] : memref<10000xi32, #tpu.memory_space<vmem>> -> memref<80xi32, #tpu.memory_space<vmem>>
      %dma_start3A_1189 = arith.constant 0 : i32
      %dma_start3A_1190 = arith.constant 0 : i32
      %dma_start3A_1191 = tpu.memref_slice %arg5[%dma_start3A_1189, %dma_start3A_1190] : memref<10000x128xf32, #tpu.memory_space<vmem_shared>> -> memref<10000x128xf32, #tpu.memory_space<vmem_shared>>
      tpu.enqueue_indirect_dma source(%dma_start3A_1191 : memref<10000x128xf32, #tpu.memory_space<vmem_shared>>) target(%dma_start3A_1187 : memref<80x128xf32, #tpu.memory_space<vmem>>) offsets(%dma_start3A_1188 : memref<80xi32, #tpu.memory_space<vmem>>) semaphore(%arg9 : memref<!tpu.dma_semaphore, #tpu.memory_space<semaphore_mem>>)
      %mul3A_1192 = arith.constant 80 : i32
      %mul3A_1193 = arith.muli %add3A_1151, %mul3A_1192 : i32
      %dma_wait3A_1194 = arith.constant 3 : i32
      %dma_wait3A_1195 = arith.constant 0 : i32
      %dma_wait3A_1196 = arith.constant 0 : i32
      %dma_wait3A_1197 = tpu.memref_slice %arg7[%dma_wait3A_1194, %dma_wait3A_1195, %dma_wait3A_1196] : memref<4x80x128xf32, #tpu.memory_space<vmem>> -> memref<1x80x128xf32, #tpu.memory_space<vmem>>
      %dma_wait3A_1198 = tpu.memref_squeeze %dma_wait3A_1197 : memref<1x80x128xf32, #tpu.memory_space<vmem>> -> memref<80x128xf32, #tpu.memory_space<vmem>>
      %dma_wait3A_1199 = arith.constant 0 : i32
      %dma_wait3A_1200 = arith.constant 0 : i32
      %dma_wait3A_1201 = tpu.memref_slice %dma_wait3A_1198[%dma_wait3A_1199, %dma_wait3A_1200] : memref<80x128xf32, #tpu.memory_space<vmem>> -> memref<80x128xf32, #tpu.memory_space<vmem>>
      %dma_wait3A_1202 = tpu.memref_slice %arg6[%mul3A_1193] : memref<10000xi32, #tpu.memory_space<vmem>> -> memref<80xi32, #tpu.memory_space<vmem>>
      %dma_wait3A_1203 = arith.constant 0 : i32
      %dma_wait3A_1204 = arith.constant 0 : i32
      %dma_wait3A_1205 = tpu.memref_slice %arg5[%dma_wait3A_1203, %dma_wait3A_1204] : memref<10000x128xf32, #tpu.memory_space<vmem_shared>> -> memref<10000x128xf32, #tpu.memory_space<vmem_shared>>
      tpu.wait_indirect_dma semaphore(%arg11 : memref<!tpu.dma_semaphore, #tpu.memory_space<semaphore_mem>>) src(%dma_wait3A_1205 : memref<10000x128xf32, #tpu.memory_space<vmem_shared>>) dst(%dma_wait3A_1201 : memref<80x128xf32, #tpu.memory_space<vmem>>)
      %mul3A_1206 = arith.constant 80 : i32
      %mul3A_1207 = arith.muli %add3A_1151, %mul3A_1206 : i32
      %add3A_1208 = arith.addi %mul3A_2, %mul3A_1207 : i32
      %dma_start3A_1209 = arith.constant 3 : i32
      %dma_start3A_1210 = arith.constant 0 : i32
      %dma_start3A_1211 = arith.constant 0 : i32
      %dma_start3A_1212 = tpu.memref_slice %arg7[%dma_start3A_1209, %dma_start3A_1210, %dma_start3A_1211] : memref<4x80x128xf32, #tpu.memory_space<vmem>> -> memref<1x80x128xf32, #tpu.memory_space<vmem>>
      %dma_start3A_1213 = tpu.memref_squeeze %dma_start3A_1212 : memref<1x80x128xf32, #tpu.memory_space<vmem>> -> memref<80x128xf32, #tpu.memory_space<vmem>>
      %dma_start3A_1214 = arith.constant 0 : i32
      %dma_start3A_1215 = arith.constant 0 : i32
      %dma_start3A_1216 = tpu.memref_slice %dma_start3A_1213[%dma_start3A_1214, %dma_start3A_1215] : memref<80x128xf32, #tpu.memory_space<vmem>> -> memref<80x128xf32, #tpu.memory_space<vmem>>
      %dma_start3A_1217 = arith.constant 0 : i32
      %dma_start3A_1218 = tpu.memref_slice %arg4[%add3A_1208, %dma_start3A_1217] : memref<320000x128xf32, #tpu.memory_space<hbm>> -> memref<80x128xf32, #tpu.memory_space<hbm>>
      %dma_start3A_1219 = arith.constant 0 : i32
      %dma_start3A_1220 = tpu.memref_slice %arg4[%add3A_1208, %dma_start3A_1219] : memref<320000x128xf32, #tpu.memory_space<hbm>> -> memref<80x128xf32, #tpu.memory_space<hbm>>
      %dma_start3A_1221 = arith.constant 0 : i32
      %dma_start3A_1222 = arith.constant 0 : i32
      %dma_start3A_1223 = tpu.memref_slice %arg7[%dma_start3A_1209, %dma_start3A_1221, %dma_start3A_1222] : memref<4x80x128xf32, #tpu.memory_space<vmem>> -> memref<1x80x128xf32, #tpu.memory_space<vmem>>
      %dma_start3A_1224 = tpu.memref_squeeze %dma_start3A_1223 : memref<1x80x128xf32, #tpu.memory_space<vmem>> -> memref<80x128xf32, #tpu.memory_space<vmem>>
      %dma_start3A_1225 = arith.constant 0 : i32
      %dma_start3A_1226 = arith.constant 0 : i32
      %dma_start3A_1227 = tpu.memref_slice %dma_start3A_1224[%dma_start3A_1225, %dma_start3A_1226] : memref<80x128xf32, #tpu.memory_space<vmem>> -> memref<80x128xf32, #tpu.memory_space<vmem>>
      tpu.enqueue_dma source(%dma_start3A_1227 : memref<80x128xf32, #tpu.memory_space<vmem>>) target(%dma_start3A_1220 : memref<80x128xf32, #tpu.memory_space<hbm>>) target_semaphore(%arg15 : memref<!tpu.dma_semaphore, #tpu.memory_space<semaphore_mem>>)
    }
    %scan3A_555 = arith.constant 28 : i32
    %add3A_556 = arith.constant 9440 : i32
    %add3A_557 = arith.addi %mul3A_2, %add3A_556 : i32
    %dma_wait3A_558 = arith.constant 2 : i32
    %dma_wait3A_559 = arith.constant 0 : i32
    %dma_wait3A_560 = arith.constant 0 : i32
    %dma_wait3A_561 = tpu.memref_slice %arg7[%dma_wait3A_558, %dma_wait3A_559, %dma_wait3A_560] : memref<4x80x128xf32, #tpu.memory_space<vmem>> -> memref<1x80x128xf32, #tpu.memory_space<vmem>>
    %dma_wait3A_562 = tpu.memref_squeeze %dma_wait3A_561 : memref<1x80x128xf32, #tpu.memory_space<vmem>> -> memref<80x128xf32, #tpu.memory_space<vmem>>
    %dma_wait3A_563 = arith.constant 0 : i32
    %dma_wait3A_564 = arith.constant 0 : i32
    %dma_wait3A_565 = tpu.memref_slice %dma_wait3A_562[%dma_wait3A_563, %dma_wait3A_564] : memref<80x128xf32, #tpu.memory_space<vmem>> -> memref<80x128xf32, #tpu.memory_space<vmem>>
    %dma_wait3A_566 = arith.constant 0 : i32
    %dma_wait3A_567 = tpu.memref_slice %arg4[%add3A_557, %dma_wait3A_566] : memref<320000x128xf32, #tpu.memory_space<hbm>> -> memref<80x128xf32, #tpu.memory_space<hbm>>
    %dma_wait3A_568 = arith.constant 0 : i32
    %dma_wait3A_569 = tpu.memref_slice %arg4[%add3A_557, %dma_wait3A_568] : memref<320000x128xf32, #tpu.memory_space<hbm>> -> memref<80x128xf32, #tpu.memory_space<hbm>>
    %dma_wait3A_570 = arith.constant 0 : i32
    %dma_wait3A_571 = arith.constant 0 : i32
    %dma_wait3A_572 = tpu.memref_slice %arg7[%dma_wait3A_558, %dma_wait3A_570, %dma_wait3A_571] : memref<4x80x128xf32, #tpu.memory_space<vmem>> -> memref<1x80x128xf32, #tpu.memory_space<vmem>>
    %dma_wait3A_573 = tpu.memref_squeeze %dma_wait3A_572 : memref<1x80x128xf32, #tpu.memory_space<vmem>> -> memref<80x128xf32, #tpu.memory_space<vmem>>
    %dma_wait3A_574 = arith.constant 0 : i32
    %dma_wait3A_575 = arith.constant 0 : i32
    %dma_wait3A_576 = tpu.memref_slice %dma_wait3A_573[%dma_wait3A_574, %dma_wait3A_575] : memref<80x128xf32, #tpu.memory_space<vmem>> -> memref<80x128xf32, #tpu.memory_space<vmem>>
    tpu.wait_dma2 semaphore(%arg14 : memref<!tpu.dma_semaphore, #tpu.memory_space<semaphore_mem>>) src(%dma_wait3A_576 : memref<80x128xf32, #tpu.memory_space<vmem>>) dst(%dma_wait3A_569 : memref<80x128xf32, #tpu.memory_space<hbm>>)
    %dma_start3A_577 = arith.constant 2 : i32
    %dma_start3A_578 = arith.constant 0 : i32
    %dma_start3A_579 = arith.constant 0 : i32
    %dma_start3A_580 = tpu.memref_slice %arg7[%dma_start3A_577, %dma_start3A_578, %dma_start3A_579] : memref<4x80x128xf32, #tpu.memory_space<vmem>> -> memref<1x80x128xf32, #tpu.memory_space<vmem>>
    %dma_start3A_581 = tpu.memref_squeeze %dma_start3A_580 : memref<1x80x128xf32, #tpu.memory_space<vmem>> -> memref<80x128xf32, #tpu.memory_space<vmem>>
    %dma_start3A_582 = arith.constant 0 : i32
    %dma_start3A_583 = arith.constant 0 : i32
    %dma_start3A_584 = tpu.memref_slice %dma_start3A_581[%dma_start3A_582, %dma_start3A_583] : memref<80x128xf32, #tpu.memory_space<vmem>> -> memref<80x128xf32, #tpu.memory_space<vmem>>
    %dma_start3A_585 = arith.constant 9760 : i32
    %dma_start3A_586 = tpu.memref_slice %arg6[%dma_start3A_585] : memref<10000xi32, #tpu.memory_space<vmem>> -> memref<80xi32, #tpu.memory_space<vmem>>
    %dma_start3A_587 = arith.constant 0 : i32
    %dma_start3A_588 = arith.constant 0 : i32
    %dma_start3A_589 = tpu.memref_slice %arg5[%dma_start3A_587, %dma_start3A_588] : memref<10000x128xf32, #tpu.memory_space<vmem_shared>> -> memref<10000x128xf32, #tpu.memory_space<vmem_shared>>
    tpu.enqueue_indirect_dma source(%dma_start3A_589 : memref<10000x128xf32, #tpu.memory_space<vmem_shared>>) target(%dma_start3A_584 : memref<80x128xf32, #tpu.memory_space<vmem>>) offsets(%dma_start3A_586 : memref<80xi32, #tpu.memory_space<vmem>>) semaphore(%arg10 : memref<!tpu.dma_semaphore, #tpu.memory_space<semaphore_mem>>)
    %dma_wait3A_590 = arith.constant 0 : i32
    %dma_wait3A_591 = arith.constant 0 : i32
    %dma_wait3A_592 = arith.constant 0 : i32
    %dma_wait3A_593 = tpu.memref_slice %arg7[%dma_wait3A_590, %dma_wait3A_591, %dma_wait3A_592] : memref<4x80x128xf32, #tpu.memory_space<vmem>> -> memref<1x80x128xf32, #tpu.memory_space<vmem>>
    %dma_wait3A_594 = tpu.memref_squeeze %dma_wait3A_593 : memref<1x80x128xf32, #tpu.memory_space<vmem>> -> memref<80x128xf32, #tpu.memory_space<vmem>>
    %dma_wait3A_595 = arith.constant 0 : i32
    %dma_wait3A_596 = arith.constant 0 : i32
    %dma_wait3A_597 = tpu.memref_slice %dma_wait3A_594[%dma_wait3A_595, %dma_wait3A_596] : memref<80x128xf32, #tpu.memory_space<vmem>> -> memref<80x128xf32, #tpu.memory_space<vmem>>
    %dma_wait3A_598 = arith.constant 9600 : i32
    %dma_wait3A_599 = tpu.memref_slice %arg6[%dma_wait3A_598] : memref<10000xi32, #tpu.memory_space<vmem>> -> memref<80xi32, #tpu.memory_space<vmem>>
    %dma_wait3A_600 = arith.constant 0 : i32
    %dma_wait3A_601 = arith.constant 0 : i32
    %dma_wait3A_602 = tpu.memref_slice %arg5[%dma_wait3A_600, %dma_wait3A_601] : memref<10000x128xf32, #tpu.memory_space<vmem_shared>> -> memref<10000x128xf32, #tpu.memory_space<vmem_shared>>
    tpu.wait_indirect_dma semaphore(%arg8 : memref<!tpu.dma_semaphore, #tpu.memory_space<semaphore_mem>>) src(%dma_wait3A_602 : memref<10000x128xf32, #tpu.memory_space<vmem_shared>>) dst(%dma_wait3A_597 : memref<80x128xf32, #tpu.memory_space<vmem>>)
    %add3A_603 = arith.constant 9600 : i32
    %add3A_604 = arith.addi %mul3A_2, %add3A_603 : i32
    %dma_start3A_605 = arith.constant 0 : i32
    %dma_start3A_606 = arith.constant 0 : i32
    %dma_start3A_607 = arith.constant 0 : i32
    %dma_start3A_608 = tpu.memref_slice %arg7[%dma_start3A_605, %dma_start3A_606, %dma_start3A_607] : memref<4x80x128xf32, #tpu.memory_space<vmem>> -> memref<1x80x128xf32, #tpu.memory_space<vmem>>
    %dma_start3A_609 = tpu.memref_squeeze %dma_start3A_608 : memref<1x80x128xf32, #tpu.memory_space<vmem>> -> memref<80x128xf32, #tpu.memory_space<vmem>>
    %dma_start3A_610 = arith.constant 0 : i32
    %dma_start3A_611 = arith.constant 0 : i32
    %dma_start3A_612 = tpu.memref_slice %dma_start3A_609[%dma_start3A_610, %dma_start3A_611] : memref<80x128xf32, #tpu.memory_space<vmem>> -> memref<80x128xf32, #tpu.memory_space<vmem>>
    %dma_start3A_613 = arith.constant 0 : i32
    %dma_start3A_614 = tpu.memref_slice %arg4[%add3A_604, %dma_start3A_613] : memref<320000x128xf32, #tpu.memory_space<hbm>> -> memref<80x128xf32, #tpu.memory_space<hbm>>
    %dma_start3A_615 = arith.constant 0 : i32
    %dma_start3A_616 = tpu.memref_slice %arg4[%add3A_604, %dma_start3A_615] : memref<320000x128xf32, #tpu.memory_space<hbm>> -> memref<80x128xf32, #tpu.memory_space<hbm>>
    %dma_start3A_617 = arith.constant 0 : i32
    %dma_start3A_618 = arith.constant 0 : i32
    %dma_start3A_619 = tpu.memref_slice %arg7[%dma_start3A_605, %dma_start3A_617, %dma_start3A_618] : memref<4x80x128xf32, #tpu.memory_space<vmem>> -> memref<1x80x128xf32, #tpu.memory_space<vmem>>
    %dma_start3A_620 = tpu.memref_squeeze %dma_start3A_619 : memref<1x80x128xf32, #tpu.memory_space<vmem>> -> memref<80x128xf32, #tpu.memory_space<vmem>>
    %dma_start3A_621 = arith.constant 0 : i32
    %dma_start3A_622 = arith.constant 0 : i32
    %dma_start3A_623 = tpu.memref_slice %dma_start3A_620[%dma_start3A_621, %dma_start3A_622] : memref<80x128xf32, #tpu.memory_space<vmem>> -> memref<80x128xf32, #tpu.memory_space<vmem>>
    tpu.enqueue_dma source(%dma_start3A_623 : memref<80x128xf32, #tpu.memory_space<vmem>>) target(%dma_start3A_616 : memref<80x128xf32, #tpu.memory_space<hbm>>) target_semaphore(%arg12 : memref<!tpu.dma_semaphore, #tpu.memory_space<semaphore_mem>>)
    %add3A_624 = arith.constant 9520 : i32
    %add3A_625 = arith.addi %mul3A_2, %add3A_624 : i32
    %dma_wait3A_626 = arith.constant 3 : i32
    %dma_wait3A_627 = arith.constant 0 : i32
    %dma_wait3A_628 = arith.constant 0 : i32
    %dma_wait3A_629 = tpu.memref_slice %arg7[%dma_wait3A_626, %dma_wait3A_627, %dma_wait3A_628] : memref<4x80x128xf32, #tpu.memory_space<vmem>> -> memref<1x80x128xf32, #tpu.memory_space<vmem>>
    %dma_wait3A_630 = tpu.memref_squeeze %dma_wait3A_629 : memref<1x80x128xf32, #tpu.memory_space<vmem>> -> memref<80x128xf32, #tpu.memory_space<vmem>>
    %dma_wait3A_631 = arith.constant 0 : i32
    %dma_wait3A_632 = arith.constant 0 : i32
    %dma_wait3A_633 = tpu.memref_slice %dma_wait3A_630[%dma_wait3A_631, %dma_wait3A_632] : memref<80x128xf32, #tpu.memory_space<vmem>> -> memref<80x128xf32, #tpu.memory_space<vmem>>
    %dma_wait3A_634 = arith.constant 0 : i32
    %dma_wait3A_635 = tpu.memref_slice %arg4[%add3A_625, %dma_wait3A_634] : memref<320000x128xf32, #tpu.memory_space<hbm>> -> memref<80x128xf32, #tpu.memory_space<hbm>>
    %dma_wait3A_636 = arith.constant 0 : i32
    %dma_wait3A_637 = tpu.memref_slice %arg4[%add3A_625, %dma_wait3A_636] : memref<320000x128xf32, #tpu.memory_space<hbm>> -> memref<80x128xf32, #tpu.memory_space<hbm>>
    %dma_wait3A_638 = arith.constant 0 : i32
    %dma_wait3A_639 = arith.constant 0 : i32
    %dma_wait3A_640 = tpu.memref_slice %arg7[%dma_wait3A_626, %dma_wait3A_638, %dma_wait3A_639] : memref<4x80x128xf32, #tpu.memory_space<vmem>> -> memref<1x80x128xf32, #tpu.memory_space<vmem>>
    %dma_wait3A_641 = tpu.memref_squeeze %dma_wait3A_640 : memref<1x80x128xf32, #tpu.memory_space<vmem>> -> memref<80x128xf32, #tpu.memory_space<vmem>>
    %dma_wait3A_642 = arith.constant 0 : i32
    %dma_wait3A_643 = arith.constant 0 : i32
    %dma_wait3A_644 = tpu.memref_slice %dma_wait3A_641[%dma_wait3A_642, %dma_wait3A_643] : memref<80x128xf32, #tpu.memory_space<vmem>> -> memref<80x128xf32, #tpu.memory_space<vmem>>
    tpu.wait_dma2 semaphore(%arg15 : memref<!tpu.dma_semaphore, #tpu.memory_space<semaphore_mem>>) src(%dma_wait3A_644 : memref<80x128xf32, #tpu.memory_space<vmem>>) dst(%dma_wait3A_637 : memref<80x128xf32, #tpu.memory_space<hbm>>)
    %dma_start3A_645 = arith.constant 3 : i32
    %dma_start3A_646 = arith.constant 0 : i32
    %dma_start3A_647 = arith.constant 0 : i32
    %dma_start3A_648 = tpu.memref_slice %arg7[%dma_start3A_645, %dma_start3A_646, %dma_start3A_647] : memref<4x80x128xf32, #tpu.memory_space<vmem>> -> memref<1x80x128xf32, #tpu.memory_space<vmem>>
    %dma_start3A_649 = tpu.memref_squeeze %dma_start3A_648 : memref<1x80x128xf32, #tpu.memory_space<vmem>> -> memref<80x128xf32, #tpu.memory_space<vmem>>
    %dma_start3A_650 = arith.constant 0 : i32
    %dma_start3A_651 = arith.constant 0 : i32
    %dma_start3A_652 = tpu.memref_slice %dma_start3A_649[%dma_start3A_650, %dma_start3A_651] : memref<80x128xf32, #tpu.memory_space<vmem>> -> memref<80x128xf32, #tpu.memory_space<vmem>>
    %dma_start3A_653 = arith.constant 9840 : i32
    %dma_start3A_654 = tpu.memref_slice %arg6[%dma_start3A_653] : memref<10000xi32, #tpu.memory_space<vmem>> -> memref<80xi32, #tpu.memory_space<vmem>>
    %dma_start3A_655 = arith.constant 0 : i32
    %dma_start3A_656 = arith.constant 0 : i32
    %dma_start3A_657 = tpu.memref_slice %arg5[%dma_start3A_655, %dma_start3A_656] : memref<10000x128xf32, #tpu.memory_space<vmem_shared>> -> memref<10000x128xf32, #tpu.memory_space<vmem_shared>>
    tpu.enqueue_indirect_dma source(%dma_start3A_657 : memref<10000x128xf32, #tpu.memory_space<vmem_shared>>) target(%dma_start3A_652 : memref<80x128xf32, #tpu.memory_space<vmem>>) offsets(%dma_start3A_654 : memref<80xi32, #tpu.memory_space<vmem>>) semaphore(%arg11 : memref<!tpu.dma_semaphore, #tpu.memory_space<semaphore_mem>>)
    %dma_wait3A_658 = arith.constant 1 : i32
    %dma_wait3A_659 = arith.constant 0 : i32
    %dma_wait3A_660 = arith.constant 0 : i32
    %dma_wait3A_661 = tpu.memref_slice %arg7[%dma_wait3A_658, %dma_wait3A_659, %dma_wait3A_660] : memref<4x80x128xf32, #tpu.memory_space<vmem>> -> memref<1x80x128xf32, #tpu.memory_space<vmem>>
    %dma_wait3A_662 = tpu.memref_squeeze %dma_wait3A_661 : memref<1x80x128xf32, #tpu.memory_space<vmem>> -> memref<80x128xf32, #tpu.memory_space<vmem>>
    %dma_wait3A_663 = arith.constant 0 : i32
    %dma_wait3A_664 = arith.constant 0 : i32
    %dma_wait3A_665 = tpu.memref_slice %dma_wait3A_662[%dma_wait3A_663, %dma_wait3A_664] : memref<80x128xf32, #tpu.memory_space<vmem>> -> memref<80x128xf32, #tpu.memory_space<vmem>>
    %dma_wait3A_666 = arith.constant 9680 : i32
    %dma_wait3A_667 = tpu.memref_slice %arg6[%dma_wait3A_666] : memref<10000xi32, #tpu.memory_space<vmem>> -> memref<80xi32, #tpu.memory_space<vmem>>
    %dma_wait3A_668 = arith.constant 0 : i32
    %dma_wait3A_669 = arith.constant 0 : i32
    %dma_wait3A_670 = tpu.memref_slice %arg5[%dma_wait3A_668, %dma_wait3A_669] : memref<10000x128xf32, #tpu.memory_space<vmem_shared>> -> memref<10000x128xf32, #tpu.memory_space<vmem_shared>>
    tpu.wait_indirect_dma semaphore(%arg9 : memref<!tpu.dma_semaphore, #tpu.memory_space<semaphore_mem>>) src(%dma_wait3A_670 : memref<10000x128xf32, #tpu.memory_space<vmem_shared>>) dst(%dma_wait3A_665 : memref<80x128xf32, #tpu.memory_space<vmem>>)
    %add3A_671 = arith.constant 9680 : i32
    %add3A_672 = arith.addi %mul3A_2, %add3A_671 : i32
    %dma_start3A_673 = arith.constant 1 : i32
    %dma_start3A_674 = arith.constant 0 : i32
    %dma_start3A_675 = arith.constant 0 : i32
    %dma_start3A_676 = tpu.memref_slice %arg7[%dma_start3A_673, %dma_start3A_674, %dma_start3A_675] : memref<4x80x128xf32, #tpu.memory_space<vmem>> -> memref<1x80x128xf32, #tpu.memory_space<vmem>>
    %dma_start3A_677 = tpu.memref_squeeze %dma_start3A_676 : memref<1x80x128xf32, #tpu.memory_space<vmem>> -> memref<80x128xf32, #tpu.memory_space<vmem>>
    %dma_start3A_678 = arith.constant 0 : i32
    %dma_start3A_679 = arith.constant 0 : i32
    %dma_start3A_680 = tpu.memref_slice %dma_start3A_677[%dma_start3A_678, %dma_start3A_679] : memref<80x128xf32, #tpu.memory_space<vmem>> -> memref<80x128xf32, #tpu.memory_space<vmem>>
    %dma_start3A_681 = arith.constant 0 : i32
    %dma_start3A_682 = tpu.memref_slice %arg4[%add3A_672, %dma_start3A_681] : memref<320000x128xf32, #tpu.memory_space<hbm>> -> memref<80x128xf32, #tpu.memory_space<hbm>>
    %dma_start3A_683 = arith.constant 0 : i32
    %dma_start3A_684 = tpu.memref_slice %arg4[%add3A_672, %dma_start3A_683] : memref<320000x128xf32, #tpu.memory_space<hbm>> -> memref<80x128xf32, #tpu.memory_space<hbm>>
    %dma_start3A_685 = arith.constant 0 : i32
    %dma_start3A_686 = arith.constant 0 : i32
    %dma_start3A_687 = tpu.memref_slice %arg7[%dma_start3A_673, %dma_start3A_685, %dma_start3A_686] : memref<4x80x128xf32, #tpu.memory_space<vmem>> -> memref<1x80x128xf32, #tpu.memory_space<vmem>>
    %dma_start3A_688 = tpu.memref_squeeze %dma_start3A_687 : memref<1x80x128xf32, #tpu.memory_space<vmem>> -> memref<80x128xf32, #tpu.memory_space<vmem>>
    %dma_start3A_689 = arith.constant 0 : i32
    %dma_start3A_690 = arith.constant 0 : i32
    %dma_start3A_691 = tpu.memref_slice %dma_start3A_688[%dma_start3A_689, %dma_start3A_690] : memref<80x128xf32, #tpu.memory_space<vmem>> -> memref<80x128xf32, #tpu.memory_space<vmem>>
    tpu.enqueue_dma source(%dma_start3A_691 : memref<80x128xf32, #tpu.memory_space<vmem>>) target(%dma_start3A_684 : memref<80x128xf32, #tpu.memory_space<hbm>>) target_semaphore(%arg13 : memref<!tpu.dma_semaphore, #tpu.memory_space<semaphore_mem>>)
    %add3A_692 = arith.constant 9600 : i32
    %add3A_693 = arith.addi %mul3A_2, %add3A_692 : i32
    %dma_wait3A_694 = arith.constant 0 : i32
    %dma_wait3A_695 = arith.constant 0 : i32
    %dma_wait3A_696 = arith.constant 0 : i32
    %dma_wait3A_697 = tpu.memref_slice %arg7[%dma_wait3A_694, %dma_wait3A_695, %dma_wait3A_696] : memref<4x80x128xf32, #tpu.memory_space<vmem>> -> memref<1x80x128xf32, #tpu.memory_space<vmem>>
    %dma_wait3A_698 = tpu.memref_squeeze %dma_wait3A_697 : memref<1x80x128xf32, #tpu.memory_space<vmem>> -> memref<80x128xf32, #tpu.memory_space<vmem>>
    %dma_wait3A_699 = arith.constant 0 : i32
    %dma_wait3A_700 = arith.constant 0 : i32
    %dma_wait3A_701 = tpu.memref_slice %dma_wait3A_698[%dma_wait3A_699, %dma_wait3A_700] : memref<80x128xf32, #tpu.memory_space<vmem>> -> memref<80x128xf32, #tpu.memory_space<vmem>>
    %dma_wait3A_702 = arith.constant 0 : i32
    %dma_wait3A_703 = tpu.memref_slice %arg4[%add3A_693, %dma_wait3A_702] : memref<320000x128xf32, #tpu.memory_space<hbm>> -> memref<80x128xf32, #tpu.memory_space<hbm>>
    %dma_wait3A_704 = arith.constant 0 : i32
    %dma_wait3A_705 = tpu.memref_slice %arg4[%add3A_693, %dma_wait3A_704] : memref<320000x128xf32, #tpu.memory_space<hbm>> -> memref<80x128xf32, #tpu.memory_space<hbm>>
    %dma_wait3A_706 = arith.constant 0 : i32
    %dma_wait3A_707 = arith.constant 0 : i32
    %dma_wait3A_708 = tpu.memref_slice %arg7[%dma_wait3A_694, %dma_wait3A_706, %dma_wait3A_707] : memref<4x80x128xf32, #tpu.memory_space<vmem>> -> memref<1x80x128xf32, #tpu.memory_space<vmem>>
    %dma_wait3A_709 = tpu.memref_squeeze %dma_wait3A_708 : memref<1x80x128xf32, #tpu.memory_space<vmem>> -> memref<80x128xf32, #tpu.memory_space<vmem>>
    %dma_wait3A_710 = arith.constant 0 : i32
    %dma_wait3A_711 = arith.constant 0 : i32
    %dma_wait3A_712 = tpu.memref_slice %dma_wait3A_709[%dma_wait3A_710, %dma_wait3A_711] : memref<80x128xf32, #tpu.memory_space<vmem>> -> memref<80x128xf32, #tpu.memory_space<vmem>>
    tpu.wait_dma2 semaphore(%arg12 : memref<!tpu.dma_semaphore, #tpu.memory_space<semaphore_mem>>) src(%dma_wait3A_712 : memref<80x128xf32, #tpu.memory_space<vmem>>) dst(%dma_wait3A_705 : memref<80x128xf32, #tpu.memory_space<hbm>>)
    %dma_start3A_713 = arith.constant 0 : i32
    %dma_start3A_714 = arith.constant 0 : i32
    %dma_start3A_715 = arith.constant 0 : i32
    %dma_start3A_716 = tpu.memref_slice %arg7[%dma_start3A_713, %dma_start3A_714, %dma_start3A_715] : memref<4x80x128xf32, #tpu.memory_space<vmem>> -> memref<1x80x128xf32, #tpu.memory_space<vmem>>
    %dma_start3A_717 = tpu.memref_squeeze %dma_start3A_716 : memref<1x80x128xf32, #tpu.memory_space<vmem>> -> memref<80x128xf32, #tpu.memory_space<vmem>>
    %dma_start3A_718 = arith.constant 0 : i32
    %dma_start3A_719 = arith.constant 0 : i32
    %dma_start3A_720 = tpu.memref_slice %dma_start3A_717[%dma_start3A_718, %dma_start3A_719] : memref<80x128xf32, #tpu.memory_space<vmem>> -> memref<80x128xf32, #tpu.memory_space<vmem>>
    %dma_start3A_721 = arith.constant 9920 : i32
    %dma_start3A_722 = tpu.memref_slice %arg6[%dma_start3A_721] : memref<10000xi32, #tpu.memory_space<vmem>> -> memref<80xi32, #tpu.memory_space<vmem>>
    %dma_start3A_723 = arith.constant 0 : i32
    %dma_start3A_724 = arith.constant 0 : i32
    %dma_start3A_725 = tpu.memref_slice %arg5[%dma_start3A_723, %dma_start3A_724] : memref<10000x128xf32, #tpu.memory_space<vmem_shared>> -> memref<10000x128xf32, #tpu.memory_space<vmem_shared>>
    tpu.enqueue_indirect_dma source(%dma_start3A_725 : memref<10000x128xf32, #tpu.memory_space<vmem_shared>>) target(%dma_start3A_720 : memref<80x128xf32, #tpu.memory_space<vmem>>) offsets(%dma_start3A_722 : memref<80xi32, #tpu.memory_space<vmem>>) semaphore(%arg8 : memref<!tpu.dma_semaphore, #tpu.memory_space<semaphore_mem>>)
    %dma_wait3A_726 = arith.constant 2 : i32
    %dma_wait3A_727 = arith.constant 0 : i32
    %dma_wait3A_728 = arith.constant 0 : i32
    %dma_wait3A_729 = tpu.memref_slice %arg7[%dma_wait3A_726, %dma_wait3A_727, %dma_wait3A_728] : memref<4x80x128xf32, #tpu.memory_space<vmem>> -> memref<1x80x128xf32, #tpu.memory_space<vmem>>
    %dma_wait3A_730 = tpu.memref_squeeze %dma_wait3A_729 : memref<1x80x128xf32, #tpu.memory_space<vmem>> -> memref<80x128xf32, #tpu.memory_space<vmem>>
    %dma_wait3A_731 = arith.constant 0 : i32
    %dma_wait3A_732 = arith.constant 0 : i32
    %dma_wait3A_733 = tpu.memref_slice %dma_wait3A_730[%dma_wait3A_731, %dma_wait3A_732] : memref<80x128xf32, #tpu.memory_space<vmem>> -> memref<80x128xf32, #tpu.memory_space<vmem>>
    %dma_wait3A_734 = arith.constant 9760 : i32
    %dma_wait3A_735 = tpu.memref_slice %arg6[%dma_wait3A_734] : memref<10000xi32, #tpu.memory_space<vmem>> -> memref<80xi32, #tpu.memory_space<vmem>>
    %dma_wait3A_736 = arith.constant 0 : i32
    %dma_wait3A_737 = arith.constant 0 : i32
    %dma_wait3A_738 = tpu.memref_slice %arg5[%dma_wait3A_736, %dma_wait3A_737] : memref<10000x128xf32, #tpu.memory_space<vmem_shared>> -> memref<10000x128xf32, #tpu.memory_space<vmem_shared>>
    tpu.wait_indirect_dma semaphore(%arg10 : memref<!tpu.dma_semaphore, #tpu.memory_space<semaphore_mem>>) src(%dma_wait3A_738 : memref<10000x128xf32, #tpu.memory_space<vmem_shared>>) dst(%dma_wait3A_733 : memref<80x128xf32, #tpu.memory_space<vmem>>)
    %add3A_739 = arith.constant 9760 : i32
    %add3A_740 = arith.addi %mul3A_2, %add3A_739 : i32
    %dma_start3A_741 = arith.constant 2 : i32
    %dma_start3A_742 = arith.constant 0 : i32
    %dma_start3A_743 = arith.constant 0 : i32
    %dma_start3A_744 = tpu.memref_slice %arg7[%dma_start3A_741, %dma_start3A_742, %dma_start3A_743] : memref<4x80x128xf32, #tpu.memory_space<vmem>> -> memref<1x80x128xf32, #tpu.memory_space<vmem>>
    %dma_start3A_745 = tpu.memref_squeeze %dma_start3A_744 : memref<1x80x128xf32, #tpu.memory_space<vmem>> -> memref<80x128xf32, #tpu.memory_space<vmem>>
    %dma_start3A_746 = arith.constant 0 : i32
    %dma_start3A_747 = arith.constant 0 : i32
    %dma_start3A_748 = tpu.memref_slice %dma_start3A_745[%dma_start3A_746, %dma_start3A_747] : memref<80x128xf32, #tpu.memory_space<vmem>> -> memref<80x128xf32, #tpu.memory_space<vmem>>
    %dma_start3A_749 = arith.constant 0 : i32
    %dma_start3A_750 = tpu.memref_slice %arg4[%add3A_740, %dma_start3A_749] : memref<320000x128xf32, #tpu.memory_space<hbm>> -> memref<80x128xf32, #tpu.memory_space<hbm>>
    %dma_start3A_751 = arith.constant 0 : i32
    %dma_start3A_752 = tpu.memref_slice %arg4[%add3A_740, %dma_start3A_751] : memref<320000x128xf32, #tpu.memory_space<hbm>> -> memref<80x128xf32, #tpu.memory_space<hbm>>
    %dma_start3A_753 = arith.constant 0 : i32
    %dma_start3A_754 = arith.constant 0 : i32
    %dma_start3A_755 = tpu.memref_slice %arg7[%dma_start3A_741, %dma_start3A_753, %dma_start3A_754] : memref<4x80x128xf32, #tpu.memory_space<vmem>> -> memref<1x80x128xf32, #tpu.memory_space<vmem>>
    %dma_start3A_756 = tpu.memref_squeeze %dma_start3A_755 : memref<1x80x128xf32, #tpu.memory_space<vmem>> -> memref<80x128xf32, #tpu.memory_space<vmem>>
    %dma_start3A_757 = arith.constant 0 : i32
    %dma_start3A_758 = arith.constant 0 : i32
    %dma_start3A_759 = tpu.memref_slice %dma_start3A_756[%dma_start3A_757, %dma_start3A_758] : memref<80x128xf32, #tpu.memory_space<vmem>> -> memref<80x128xf32, #tpu.memory_space<vmem>>
    tpu.enqueue_dma source(%dma_start3A_759 : memref<80x128xf32, #tpu.memory_space<vmem>>) target(%dma_start3A_752 : memref<80x128xf32, #tpu.memory_space<hbm>>) target_semaphore(%arg14 : memref<!tpu.dma_semaphore, #tpu.memory_space<semaphore_mem>>)
    %add3A_760 = arith.constant 9680 : i32
    %add3A_761 = arith.addi %mul3A_2, %add3A_760 : i32
    %dma_wait3A_762 = arith.constant 1 : i32
    %dma_wait3A_763 = arith.constant 0 : i32
    %dma_wait3A_764 = arith.constant 0 : i32
    %dma_wait3A_765 = tpu.memref_slice %arg7[%dma_wait3A_762, %dma_wait3A_763, %dma_wait3A_764] : memref<4x80x128xf32, #tpu.memory_space<vmem>> -> memref<1x80x128xf32, #tpu.memory_space<vmem>>
    %dma_wait3A_766 = tpu.memref_squeeze %dma_wait3A_765 : memref<1x80x128xf32, #tpu.memory_space<vmem>> -> memref<80x128xf32, #tpu.memory_space<vmem>>
    %dma_wait3A_767 = arith.constant 0 : i32
    %dma_wait3A_768 = arith.constant 0 : i32
    %dma_wait3A_769 = tpu.memref_slice %dma_wait3A_766[%dma_wait3A_767, %dma_wait3A_768] : memref<80x128xf32, #tpu.memory_space<vmem>> -> memref<80x128xf32, #tpu.memory_space<vmem>>
    %dma_wait3A_770 = arith.constant 0 : i32
    %dma_wait3A_771 = tpu.memref_slice %arg4[%add3A_761, %dma_wait3A_770] : memref<320000x128xf32, #tpu.memory_space<hbm>> -> memref<80x128xf32, #tpu.memory_space<hbm>>
    %dma_wait3A_772 = arith.constant 0 : i32
    %dma_wait3A_773 = tpu.memref_slice %arg4[%add3A_761, %dma_wait3A_772] : memref<320000x128xf32, #tpu.memory_space<hbm>> -> memref<80x128xf32, #tpu.memory_space<hbm>>
    %dma_wait3A_774 = arith.constant 0 : i32
    %dma_wait3A_775 = arith.constant 0 : i32
    %dma_wait3A_776 = tpu.memref_slice %arg7[%dma_wait3A_762, %dma_wait3A_774, %dma_wait3A_775] : memref<4x80x128xf32, #tpu.memory_space<vmem>> -> memref<1x80x128xf32, #tpu.memory_space<vmem>>
    %dma_wait3A_777 = tpu.memref_squeeze %dma_wait3A_776 : memref<1x80x128xf32, #tpu.memory_space<vmem>> -> memref<80x128xf32, #tpu.memory_space<vmem>>
    %dma_wait3A_778 = arith.constant 0 : i32
    %dma_wait3A_779 = arith.constant 0 : i32
    %dma_wait3A_780 = tpu.memref_slice %dma_wait3A_777[%dma_wait3A_778, %dma_wait3A_779] : memref<80x128xf32, #tpu.memory_space<vmem>> -> memref<80x128xf32, #tpu.memory_space<vmem>>
    tpu.wait_dma2 semaphore(%arg13 : memref<!tpu.dma_semaphore, #tpu.memory_space<semaphore_mem>>) src(%dma_wait3A_780 : memref<80x128xf32, #tpu.memory_space<vmem>>) dst(%dma_wait3A_773 : memref<80x128xf32, #tpu.memory_space<hbm>>)
    %dma_wait3A_781 = arith.constant 3 : i32
    %dma_wait3A_782 = arith.constant 0 : i32
    %dma_wait3A_783 = arith.constant 0 : i32
    %dma_wait3A_784 = tpu.memref_slice %arg7[%dma_wait3A_781, %dma_wait3A_782, %dma_wait3A_783] : memref<4x80x128xf32, #tpu.memory_space<vmem>> -> memref<1x80x128xf32, #tpu.memory_space<vmem>>
    %dma_wait3A_785 = tpu.memref_squeeze %dma_wait3A_784 : memref<1x80x128xf32, #tpu.memory_space<vmem>> -> memref<80x128xf32, #tpu.memory_space<vmem>>
    %dma_wait3A_786 = arith.constant 0 : i32
    %dma_wait3A_787 = arith.constant 0 : i32
    %dma_wait3A_788 = tpu.memref_slice %dma_wait3A_785[%dma_wait3A_786, %dma_wait3A_787] : memref<80x128xf32, #tpu.memory_space<vmem>> -> memref<80x128xf32, #tpu.memory_space<vmem>>
    %dma_wait3A_789 = arith.constant 9840 : i32
    %dma_wait3A_790 = tpu.memref_slice %arg6[%dma_wait3A_789] : memref<10000xi32, #tpu.memory_space<vmem>> -> memref<80xi32, #tpu.memory_space<vmem>>
    %dma_wait3A_791 = arith.constant 0 : i32
    %dma_wait3A_792 = arith.constant 0 : i32
    %dma_wait3A_793 = tpu.memref_slice %arg5[%dma_wait3A_791, %dma_wait3A_792] : memref<10000x128xf32, #tpu.memory_space<vmem_shared>> -> memref<10000x128xf32, #tpu.memory_space<vmem_shared>>
    tpu.wait_indirect_dma semaphore(%arg11 : memref<!tpu.dma_semaphore, #tpu.memory_space<semaphore_mem>>) src(%dma_wait3A_793 : memref<10000x128xf32, #tpu.memory_space<vmem_shared>>) dst(%dma_wait3A_788 : memref<80x128xf32, #tpu.memory_space<vmem>>)
    %add3A_794 = arith.constant 9840 : i32
    %add3A_795 = arith.addi %mul3A_2, %add3A_794 : i32
    %dma_start3A_796 = arith.constant 3 : i32
    %dma_start3A_797 = arith.constant 0 : i32
    %dma_start3A_798 = arith.constant 0 : i32
    %dma_start3A_799 = tpu.memref_slice %arg7[%dma_start3A_796, %dma_start3A_797, %dma_start3A_798] : memref<4x80x128xf32, #tpu.memory_space<vmem>> -> memref<1x80x128xf32, #tpu.memory_space<vmem>>
    %dma_start3A_800 = tpu.memref_squeeze %dma_start3A_799 : memref<1x80x128xf32, #tpu.memory_space<vmem>> -> memref<80x128xf32, #tpu.memory_space<vmem>>
    %dma_start3A_801 = arith.constant 0 : i32
    %dma_start3A_802 = arith.constant 0 : i32
    %dma_start3A_803 = tpu.memref_slice %dma_start3A_800[%dma_start3A_801, %dma_start3A_802] : memref<80x128xf32, #tpu.memory_space<vmem>> -> memref<80x128xf32, #tpu.memory_space<vmem>>
    %dma_start3A_804 = arith.constant 0 : i32
    %dma_start3A_805 = tpu.memref_slice %arg4[%add3A_795, %dma_start3A_804] : memref<320000x128xf32, #tpu.memory_space<hbm>> -> memref<80x128xf32, #tpu.memory_space<hbm>>
    %dma_start3A_806 = arith.constant 0 : i32
    %dma_start3A_807 = tpu.memref_slice %arg4[%add3A_795, %dma_start3A_806] : memref<320000x128xf32, #tpu.memory_space<hbm>> -> memref<80x128xf32, #tpu.memory_space<hbm>>
    %dma_start3A_808 = arith.constant 0 : i32
    %dma_start3A_809 = arith.constant 0 : i32
    %dma_start3A_810 = tpu.memref_slice %arg7[%dma_start3A_796, %dma_start3A_808, %dma_start3A_809] : memref<4x80x128xf32, #tpu.memory_space<vmem>> -> memref<1x80x128xf32, #tpu.memory_space<vmem>>
    %dma_start3A_811 = tpu.memref_squeeze %dma_start3A_810 : memref<1x80x128xf32, #tpu.memory_space<vmem>> -> memref<80x128xf32, #tpu.memory_space<vmem>>
    %dma_start3A_812 = arith.constant 0 : i32
    %dma_start3A_813 = arith.constant 0 : i32
    %dma_start3A_814 = tpu.memref_slice %dma_start3A_811[%dma_start3A_812, %dma_start3A_813] : memref<80x128xf32, #tpu.memory_space<vmem>> -> memref<80x128xf32, #tpu.memory_space<vmem>>
    tpu.enqueue_dma source(%dma_start3A_814 : memref<80x128xf32, #tpu.memory_space<vmem>>) target(%dma_start3A_807 : memref<80x128xf32, #tpu.memory_space<hbm>>) target_semaphore(%arg15 : memref<!tpu.dma_semaphore, #tpu.memory_space<semaphore_mem>>)
    %add3A_815 = arith.constant 9760 : i32
    %add3A_816 = arith.addi %mul3A_2, %add3A_815 : i32
    %dma_wait3A_817 = arith.constant 2 : i32
    %dma_wait3A_818 = arith.constant 0 : i32
    %dma_wait3A_819 = arith.constant 0 : i32
    %dma_wait3A_820 = tpu.memref_slice %arg7[%dma_wait3A_817, %dma_wait3A_818, %dma_wait3A_819] : memref<4x80x128xf32, #tpu.memory_space<vmem>> -> memref<1x80x128xf32, #tpu.memory_space<vmem>>
    %dma_wait3A_821 = tpu.memref_squeeze %dma_wait3A_820 : memref<1x80x128xf32, #tpu.memory_space<vmem>> -> memref<80x128xf32, #tpu.memory_space<vmem>>
    %dma_wait3A_822 = arith.constant 0 : i32
    %dma_wait3A_823 = arith.constant 0 : i32
    %dma_wait3A_824 = tpu.memref_slice %dma_wait3A_821[%dma_wait3A_822, %dma_wait3A_823] : memref<80x128xf32, #tpu.memory_space<vmem>> -> memref<80x128xf32, #tpu.memory_space<vmem>>
    %dma_wait3A_825 = arith.constant 0 : i32
    %dma_wait3A_826 = tpu.memref_slice %arg4[%add3A_816, %dma_wait3A_825] : memref<320000x128xf32, #tpu.memory_space<hbm>> -> memref<80x128xf32, #tpu.memory_space<hbm>>
    %dma_wait3A_827 = arith.constant 0 : i32
    %dma_wait3A_828 = tpu.memref_slice %arg4[%add3A_816, %dma_wait3A_827] : memref<320000x128xf32, #tpu.memory_space<hbm>> -> memref<80x128xf32, #tpu.memory_space<hbm>>
    %dma_wait3A_829 = arith.constant 0 : i32
    %dma_wait3A_830 = arith.constant 0 : i32
    %dma_wait3A_831 = tpu.memref_slice %arg7[%dma_wait3A_817, %dma_wait3A_829, %dma_wait3A_830] : memref<4x80x128xf32, #tpu.memory_space<vmem>> -> memref<1x80x128xf32, #tpu.memory_space<vmem>>
    %dma_wait3A_832 = tpu.memref_squeeze %dma_wait3A_831 : memref<1x80x128xf32, #tpu.memory_space<vmem>> -> memref<80x128xf32, #tpu.memory_space<vmem>>
    %dma_wait3A_833 = arith.constant 0 : i32
    %dma_wait3A_834 = arith.constant 0 : i32
    %dma_wait3A_835 = tpu.memref_slice %dma_wait3A_832[%dma_wait3A_833, %dma_wait3A_834] : memref<80x128xf32, #tpu.memory_space<vmem>> -> memref<80x128xf32, #tpu.memory_space<vmem>>
    tpu.wait_dma2 semaphore(%arg14 : memref<!tpu.dma_semaphore, #tpu.memory_space<semaphore_mem>>) src(%dma_wait3A_835 : memref<80x128xf32, #tpu.memory_space<vmem>>) dst(%dma_wait3A_828 : memref<80x128xf32, #tpu.memory_space<hbm>>)
    %dma_wait3A_836 = arith.constant 0 : i32
    %dma_wait3A_837 = arith.constant 0 : i32
    %dma_wait3A_838 = arith.constant 0 : i32
    %dma_wait3A_839 = tpu.memref_slice %arg7[%dma_wait3A_836, %dma_wait3A_837, %dma_wait3A_838] : memref<4x80x128xf32, #tpu.memory_space<vmem>> -> memref<1x80x128xf32, #tpu.memory_space<vmem>>
    %dma_wait3A_840 = tpu.memref_squeeze %dma_wait3A_839 : memref<1x80x128xf32, #tpu.memory_space<vmem>> -> memref<80x128xf32, #tpu.memory_space<vmem>>
    %dma_wait3A_841 = arith.constant 0 : i32
    %dma_wait3A_842 = arith.constant 0 : i32
    %dma_wait3A_843 = tpu.memref_slice %dma_wait3A_840[%dma_wait3A_841, %dma_wait3A_842] : memref<80x128xf32, #tpu.memory_space<vmem>> -> memref<80x128xf32, #tpu.memory_space<vmem>>
    %dma_wait3A_844 = arith.constant 9920 : i32
    %dma_wait3A_845 = tpu.memref_slice %arg6[%dma_wait3A_844] : memref<10000xi32, #tpu.memory_space<vmem>> -> memref<80xi32, #tpu.memory_space<vmem>>
    %dma_wait3A_846 = arith.constant 0 : i32
    %dma_wait3A_847 = arith.constant 0 : i32
    %dma_wait3A_848 = tpu.memref_slice %arg5[%dma_wait3A_846, %dma_wait3A_847] : memref<10000x128xf32, #tpu.memory_space<vmem_shared>> -> memref<10000x128xf32, #tpu.memory_space<vmem_shared>>
    tpu.wait_indirect_dma semaphore(%arg8 : memref<!tpu.dma_semaphore, #tpu.memory_space<semaphore_mem>>) src(%dma_wait3A_848 : memref<10000x128xf32, #tpu.memory_space<vmem_shared>>) dst(%dma_wait3A_843 : memref<80x128xf32, #tpu.memory_space<vmem>>)
    %add3A_849 = arith.constant 9920 : i32
    %add3A_850 = arith.addi %mul3A_2, %add3A_849 : i32
    %dma_start3A_851 = arith.constant 0 : i32
    %dma_start3A_852 = arith.constant 0 : i32
    %dma_start3A_853 = arith.constant 0 : i32
    %dma_start3A_854 = tpu.memref_slice %arg7[%dma_start3A_851, %dma_start3A_852, %dma_start3A_853] : memref<4x80x128xf32, #tpu.memory_space<vmem>> -> memref<1x80x128xf32, #tpu.memory_space<vmem>>
    %dma_start3A_855 = tpu.memref_squeeze %dma_start3A_854 : memref<1x80x128xf32, #tpu.memory_space<vmem>> -> memref<80x128xf32, #tpu.memory_space<vmem>>
    %dma_start3A_856 = arith.constant 0 : i32
    %dma_start3A_857 = arith.constant 0 : i32
    %dma_start3A_858 = tpu.memref_slice %dma_start3A_855[%dma_start3A_856, %dma_start3A_857] : memref<80x128xf32, #tpu.memory_space<vmem>> -> memref<80x128xf32, #tpu.memory_space<vmem>>
    %dma_start3A_859 = arith.constant 0 : i32
    %dma_start3A_860 = tpu.memref_slice %arg4[%add3A_850, %dma_start3A_859] : memref<320000x128xf32, #tpu.memory_space<hbm>> -> memref<80x128xf32, #tpu.memory_space<hbm>>
    %dma_start3A_861 = arith.constant 0 : i32
    %dma_start3A_862 = tpu.memref_slice %arg4[%add3A_850, %dma_start3A_861] : memref<320000x128xf32, #tpu.memory_space<hbm>> -> memref<80x128xf32, #tpu.memory_space<hbm>>
    %dma_start3A_863 = arith.constant 0 : i32
    %dma_start3A_864 = arith.constant 0 : i32
    %dma_start3A_865 = tpu.memref_slice %arg7[%dma_start3A_851, %dma_start3A_863, %dma_start3A_864] : memref<4x80x128xf32, #tpu.memory_space<vmem>> -> memref<1x80x128xf32, #tpu.memory_space<vmem>>
    %dma_start3A_866 = tpu.memref_squeeze %dma_start3A_865 : memref<1x80x128xf32, #tpu.memory_space<vmem>> -> memref<80x128xf32, #tpu.memory_space<vmem>>
    %dma_start3A_867 = arith.constant 0 : i32
    %dma_start3A_868 = arith.constant 0 : i32
    %dma_start3A_869 = tpu.memref_slice %dma_start3A_866[%dma_start3A_867, %dma_start3A_868] : memref<80x128xf32, #tpu.memory_space<vmem>> -> memref<80x128xf32, #tpu.memory_space<vmem>>
    tpu.enqueue_dma source(%dma_start3A_869 : memref<80x128xf32, #tpu.memory_space<vmem>>) target(%dma_start3A_862 : memref<80x128xf32, #tpu.memory_space<hbm>>) target_semaphore(%arg12 : memref<!tpu.dma_semaphore, #tpu.memory_space<semaphore_mem>>)
    %add3A_870 = arith.constant 9840 : i32
    %add3A_871 = arith.addi %mul3A_2, %add3A_870 : i32
    %dma_wait3A_872 = arith.constant 3 : i32
    %dma_wait3A_873 = arith.constant 0 : i32
    %dma_wait3A_874 = arith.constant 0 : i32
    %dma_wait3A_875 = tpu.memref_slice %arg7[%dma_wait3A_872, %dma_wait3A_873, %dma_wait3A_874] : memref<4x80x128xf32, #tpu.memory_space<vmem>> -> memref<1x80x128xf32, #tpu.memory_space<vmem>>
    %dma_wait3A_876 = tpu.memref_squeeze %dma_wait3A_875 : memref<1x80x128xf32, #tpu.memory_space<vmem>> -> memref<80x128xf32, #tpu.memory_space<vmem>>
    %dma_wait3A_877 = arith.constant 0 : i32
    %dma_wait3A_878 = arith.constant 0 : i32
    %dma_wait3A_879 = tpu.memref_slice %dma_wait3A_876[%dma_wait3A_877, %dma_wait3A_878] : memref<80x128xf32, #tpu.memory_space<vmem>> -> memref<80x128xf32, #tpu.memory_space<vmem>>
    %dma_wait3A_880 = arith.constant 0 : i32
    %dma_wait3A_881 = tpu.memref_slice %arg4[%add3A_871, %dma_wait3A_880] : memref<320000x128xf32, #tpu.memory_space<hbm>> -> memref<80x128xf32, #tpu.memory_space<hbm>>
    %dma_wait3A_882 = arith.constant 0 : i32
    %dma_wait3A_883 = tpu.memref_slice %arg4[%add3A_871, %dma_wait3A_882] : memref<320000x128xf32, #tpu.memory_space<hbm>> -> memref<80x128xf32, #tpu.memory_space<hbm>>
    %dma_wait3A_884 = arith.constant 0 : i32
    %dma_wait3A_885 = arith.constant 0 : i32
    %dma_wait3A_886 = tpu.memref_slice %arg7[%dma_wait3A_872, %dma_wait3A_884, %dma_wait3A_885] : memref<4x80x128xf32, #tpu.memory_space<vmem>> -> memref<1x80x128xf32, #tpu.memory_space<vmem>>
    %dma_wait3A_887 = tpu.memref_squeeze %dma_wait3A_886 : memref<1x80x128xf32, #tpu.memory_space<vmem>> -> memref<80x128xf32, #tpu.memory_space<vmem>>
    %dma_wait3A_888 = arith.constant 0 : i32
    %dma_wait3A_889 = arith.constant 0 : i32
    %dma_wait3A_890 = tpu.memref_slice %dma_wait3A_887[%dma_wait3A_888, %dma_wait3A_889] : memref<80x128xf32, #tpu.memory_space<vmem>> -> memref<80x128xf32, #tpu.memory_space<vmem>>
    tpu.wait_dma2 semaphore(%arg15 : memref<!tpu.dma_semaphore, #tpu.memory_space<semaphore_mem>>) src(%dma_wait3A_890 : memref<80x128xf32, #tpu.memory_space<vmem>>) dst(%dma_wait3A_883 : memref<80x128xf32, #tpu.memory_space<hbm>>)
    %add3A_891 = arith.constant 9920 : i32
    %add3A_892 = arith.addi %mul3A_2, %add3A_891 : i32
    %dma_wait3A_893 = arith.constant 0 : i32
    %dma_wait3A_894 = arith.constant 0 : i32
    %dma_wait3A_895 = arith.constant 0 : i32
    %dma_wait3A_896 = tpu.memref_slice %arg7[%dma_wait3A_893, %dma_wait3A_894, %dma_wait3A_895] : memref<4x80x128xf32, #tpu.memory_space<vmem>> -> memref<1x80x128xf32, #tpu.memory_space<vmem>>
    %dma_wait3A_897 = tpu.memref_squeeze %dma_wait3A_896 : memref<1x80x128xf32, #tpu.memory_space<vmem>> -> memref<80x128xf32, #tpu.memory_space<vmem>>
    %dma_wait3A_898 = arith.constant 0 : i32
    %dma_wait3A_899 = arith.constant 0 : i32
    %dma_wait3A_900 = tpu.memref_slice %dma_wait3A_897[%dma_wait3A_898, %dma_wait3A_899] : memref<80x128xf32, #tpu.memory_space<vmem>> -> memref<80x128xf32, #tpu.memory_space<vmem>>
    %dma_wait3A_901 = arith.constant 0 : i32
    %dma_wait3A_902 = tpu.memref_slice %arg4[%add3A_892, %dma_wait3A_901] : memref<320000x128xf32, #tpu.memory_space<hbm>> -> memref<80x128xf32, #tpu.memory_space<hbm>>
    %dma_wait3A_903 = arith.constant 0 : i32
    %dma_wait3A_904 = tpu.memref_slice %arg4[%add3A_892, %dma_wait3A_903] : memref<320000x128xf32, #tpu.memory_space<hbm>> -> memref<80x128xf32, #tpu.memory_space<hbm>>
    %dma_wait3A_905 = arith.constant 0 : i32
    %dma_wait3A_906 = arith.constant 0 : i32
    %dma_wait3A_907 = tpu.memref_slice %arg7[%dma_wait3A_893, %dma_wait3A_905, %dma_wait3A_906] : memref<4x80x128xf32, #tpu.memory_space<vmem>> -> memref<1x80x128xf32, #tpu.memory_space<vmem>>
    %dma_wait3A_908 = tpu.memref_squeeze %dma_wait3A_907 : memref<1x80x128xf32, #tpu.memory_space<vmem>> -> memref<80x128xf32, #tpu.memory_space<vmem>>
    %dma_wait3A_909 = arith.constant 0 : i32
    %dma_wait3A_910 = arith.constant 0 : i32
    %dma_wait3A_911 = tpu.memref_slice %dma_wait3A_908[%dma_wait3A_909, %dma_wait3A_910] : memref<80x128xf32, #tpu.memory_space<vmem>> -> memref<80x128xf32, #tpu.memory_space<vmem>>
    tpu.wait_dma2 semaphore(%arg12 : memref<!tpu.dma_semaphore, #tpu.memory_space<semaphore_mem>>) src(%dma_wait3A_911 : memref<80x128xf32, #tpu.memory_space<vmem>>) dst(%dma_wait3A_904 : memref<80x128xf32, #tpu.memory_space<hbm>>)
    return
  }
}

</mosaic_0001>

<sc_bundles>
// kernel: kernel.3.cloned.1.call-start
scs
__scs_entry_jumppad:
0x0: {  	(pc) =	sbr.rel $0x88, $3  }
0x1: {  	(tag) =	ssettag $0x0;
	lr =	simm.s32 $0x1  }
0x2: {  	[smem:$0x3F9F] =	sst lr;
	_ =	strace $0xD0000000  }
0x3: {  	_ = 	snop  }
0x4: {  	_ = 	snop  }
0x5: {  	_ = 	snop  }
0x6: {  	_ = 	snop  }
0x7: {  	_ = 	snop  }
__scs_overlays_trampoline_lowered:
0x8: {  	[smem:$0x3FAE] =	sst s0  }
0x9: {  	[smem:$0x3FAF] =	sst s1  }
0xa: {  	[smem:$0x3FB0] =	sst s2  }
0xb: {  	[smem:$0x3FB1] =	sst s3  }
0xc: {  	[smem:$0x3FB2] =	sst s4  }
0xd: {  	[smem:$0x3FB3] =	sst s5  }
0xe: {  	[smem:$0x3FB4] =	sst s6  }
0xf: {  	[smem:$0x3FB5] =	sst s7  }
0x10: {  	[smem:$0x3FB6] =	sst s8  }
0x11: {  	[smem:$0x3FB7] =	sst s9;
	s0 =	simm.s32 @!p0 $0x0  }
0x12: {  	s1 =	sld [smem:$0x3F9D];
	s0 =	simm.s32 @p0 $0x1  }
0x13: {  	[smem:$0x3FB8] =	sst s0;
	s0 =	simm.s32 @!p1 $0x0  }
0x14: {  	s2 =	sld [smem:$0x3F9C];
	s0 =	simm.s32 @p1 $0x1  }
0x15: {  	[smem:$0x3FB9] =	sst s0;
	s0 =	simm.s32 @!p2 $0x0  }
0x16: {  	s3 =	sld [smem:$0x3FDB];
	s0 =	simm.s32 @p2 $0x1  }
0x17: {  	s4 =	simm.s32 $0x1BF5;
	[smem:$0x3FBB] =	sst s0  }
0x18: {  	s0 =	sld [smem:$0x3F9E];
	_ =	swait.ge [sflag:s4], $0x0  }
0x19: {  	s7 =	sld [smem:$0x3F9F]  }
0x1a: {  	s8 =	sadd.s32 $0xFFFFE003, lr  }
0x1b: {  	s9 =	sadd.s32 $0xFFFFFEF7, lr;
	s5 =	simm.s32 $0xFFFFFFFF;
	p2 =	slt.u32 s8, $0xFFFFF086  }
0x1c: {  	p1 =	slt.u32 s9, $0xF7A;
	s5 =	simm.s32 @!p2 $0x0  }
0x1d: {  	s5 =	simm.s32 @p1 $0x1;
	p0 =	seq.s32 s7, s2  }
0x1e: {  	s7 =	smul.u32 @!p0 $0xF7A, s2;
	p2 =	seq.s32 @!p0 s5, $0x0  }
0x1f: {  	s9 =	smul.u32 $0xF7A, s1;
	s8 =	simm.s32 @!p0 $0x1BF5;
	p2 =	por !p2, p0  }
0x20: {  	[sflag:s8] =	ssyncset.s32 @!p0 $0xFFFFF086;
	s6 =	sadd.s32 @!p0 s3, s7;
	s7 =	simm.s32 @!p0 $0x108  }
0x21: {  	s3 =	sadd.s32 s3, s9;
	s6 =	sadd.s32 @!p0 $0x88, s6;
	s7 =	simm.s32 @p2 $0x1082  }
0x22: {  	[simem:s7], [sflag:s8] =	dma.local @!p0 [hbm:s6], $0xF7A  }
0x23: {  	s9 =	sor.u32 $0xD0000000, s2;
	s6 =	simm.s32 $0x108;
	_ =	swait.ge @!p0 [sflag:s8], $0x0  }
0x24: {  	s3 =	sadd.s32 $0x88, s3;
	s6 =	simm.s32 @!p1 $0x1082;
	[sflag:s4] =	ssyncset.s32 $0xFFFFF086  }
0x25: {  	[simem:s6], [sflag:s4] =	dma.local [hbm:s3], $0xF7A  }
0x26: {  	[smem:$0x3F9F] =	sst s1;
	(tag) =	ssettag s2;
	_ =	strace s9  }
0x27: {  	s1 =	sld [smem:$0x3FAF]  }
0x28: {  	s2 =	sld [smem:$0x3FB0]  }
0x29: {  	s4 =	sld [smem:$0x3FB2]  }
0x2a: {  	p0 =	seq.s32 s5, $0x0;
	s5 =	sld [smem:$0x3FB3]  }
0x2b: {  	s6 =	sld [smem:$0x3FB4]  }
0x2c: {  	s7 =	sld [smem:$0x3FB5]  }
0x2d: {  	s3 =	simm.s32 $0x108;
	s8 =	sld [smem:$0x3FB6]  }
0x2e: {  	s3 =	simm.s32 @!p0 $0x1082;
	s9 =	sld [smem:$0x3FB7]  }
0x2f: {  	lr =	sadd.s32 s0, s3;
	s0 =	sld [smem:$0x3FAE]  }
0x30: {  	s3 =	sld [smem:$0x3FB1]  }
0x31: {  	[smem:$0x3FBA] =	sst s10  }
0x32: {  	s10 =	sld [smem:$0x3FB8];
	_ =	sdelay $0x3  }
0x33: {  	p0 =	seq.s32 s10, $0x1;
	s10 =	sld [smem:$0x3FBA];
	_ =	sdelay $0x3  }
0x34: {  	[smem:$0x3FBA] =	sst s10  }
0x35: {  	s10 =	sld [smem:$0x3FB9];
	_ =	sdelay $0x3  }
0x36: {  	p1 =	seq.s32 s10, $0x1;
	s10 =	sld [smem:$0x3FBA];
	_ =	sdelay $0x3  }
0x37: {  	[smem:$0x3FBA] =	sst s10  }
0x38: {  	s10 =	sld [smem:$0x3FBB]  }
0x39: {  	_ = 	snop;
	(pc) =	sbr.ind lr, $3  }
0x3a: {  	_ = 	snop  }
0x3b: {  	_ = 	snop  }
0x3c: {  	p2 =	seq.s32 s10, $0x1;
	s10 =	sld [smem:$0x3FBA]  }
0x3d: {  	_ =	shalt  }
0x3e: {  	_ =	shalt  }
0x3f: {  	_ =	shalt  }
0x40: {  	_ =	shalt  }
0x41: {  	_ =	shalt  }
0x42: {  	_ =	shalt  }
0x43: {  	_ =	shalt  }
0x44: {  	_ =	shalt  }
0x45: {  	_ =	shalt  }
0x46: {  	_ =	shalt  }
0x47: {  	_ =	shalt  }
0x48: {  	_ =	shalt  }
0x49: {  	_ =	shalt  }
0x4a: {  	_ =	shalt  }
0x4b: {  	_ =	shalt  }
0x4c: {  	_ =	shalt  }
0x4d: {  	_ =	shalt  }
0x4e: {  	_ =	shalt  }
0x4f: {  	_ =	shalt  }
0x50: {  	_ =	shalt  }
0x51: {  	_ =	shalt  }
0x52: {  	_ =	shalt  }
0x53: {  	_ =	shalt  }
0x54: {  	_ =	shalt  }
0x55: {  	_ =	shalt  }
0x56: {  	_ =	shalt  }
0x57: {  	_ =	shalt  }
0x58: {  	_ =	shalt  }
0x59: {  	_ =	shalt  }
0x5a: {  	_ =	shalt  }
0x5b: {  	_ =	shalt  }
0x5c: {  	_ =	shalt  }
0x5d: {  	_ =	shalt  }
0x5e: {  	_ =	shalt  }
0x5f: {  	_ =	shalt  }
0x60: {  	_ =	shalt  }
0x61: {  	_ =	shalt  }
0x62: {  	_ =	shalt  }
0x63: {  	_ =	shalt  }
0x64: {  	_ =	shalt  }
0x65: {  	_ =	shalt  }
0x66: {  	_ =	shalt  }
0x67: {  	_ =	shalt  }
0x68: {  	_ =	shalt  }
0x69: {  	_ =	shalt  }
0x6a: {  	_ =	shalt  }
0x6b: {  	_ =	shalt  }
0x6c: {  	_ =	shalt  }
0x6d: {  	_ =	shalt  }
0x6e: {  	_ =	shalt  }
0x6f: {  	_ =	shalt  }
0x70: {  	_ =	shalt  }
0x71: {  	_ =	shalt  }
0x72: {  	_ =	shalt  }
0x73: {  	_ =	shalt  }
0x74: {  	_ =	shalt  }
0x75: {  	_ =	shalt  }
0x76: {  	_ =	shalt  }
0x77: {  	_ =	shalt  }
0x78: {  	_ =	shalt  }
0x79: {  	_ =	shalt  }
0x7a: {  	_ =	shalt  }
0x7b: {  	_ =	shalt  }
0x7c: {  	_ =	shalt  }
0x7d: {  	_ =	shalt  }
0x7e: {  	_ =	shalt  }
0x7f: {  	_ =	shalt  }
0x80: {  	_ =	shalt  }
0x81: {  	_ =	shalt  }
0x82: {  	_ =	shalt  }
0x83: {  	_ =	shalt  }
0x84: {  	_ =	shalt  }
0x85: {  	_ =	shalt  }
0x86: {  	_ =	shalt  }
0x87: {  	_ =	shalt  }
.Lfunc_end0:
.L_simem_size_0:
called_computation_lowered:
.L_overlay_start_0:
0x88: {  	s2 =	sld [smem:$0x3FD9]  }
0x89: {  	s3 =	sld [smem:$0x3FFE];
	_ =	sdelay $0x1  }
0x8a: {  	s1 =	srdreg.scid  }
0x8b: {  	s0 =	sand.u32 $0x1, s1  }
0x8c: {  	s18 =	sshll.u32 s0, $0xA;
	s2 =	sadd.s32 s3, s2  }
0x8d: {  	s2 =	sadd.s32 s2, s18  }
0x8e: {  	[smem:$0x3FC6] =	sst s2  }
0x8f: {  	_ = 	snop  }
0x90: {  	s2 =	sld [smem:$0x3FC9]  }
0x91: {  	s19 =	sld [smem:$0x3FC8]  }
0x92: {  	s4 =	sld [smem:$0x3FD0];
	(tm) =	ssettm $0x1  }
0x93: {  	s5 =	sld [smem:$0x3FFB];
	_ =	sdelay $0x3  }
0x94: {  	_ =	strace s5  }
0x95: {  	s5 =	sld [smem:$0x3FFC];
	_ =	sdelay $0x3  }
0x96: {  	_ =	strace s5  }
0x97: {  	s5 =	sld [smem:$0x3FFD];
	_ =	sdelay $0x3  }
0x98: {  	_ =	strace s5  }
0x99: {  	_ =	strace $0x8FFFFFFF  }
0x9a: {  	s20 =	sld [smem:$0x3FDB];
	_ =	sdelay $0x1  }
0x9b: {  	s6 =	simm.s32 $_scs_section_size  }
0x9c: {  	s7 =	simm.s32 $_size__tile_overlayer_lowered;
	s8 =	simm.s32 $_tile_overlayer_lowered  }
0x9d: {  	s23 =	simm.s32 $0x1BFF;
	s22 =	sshll.u32 s8, $0x1;
	s5 =	sadd.s32 s6, s20  }
0x9e: {  	s9 =	simm.s32 $0x0;
	s21 =	sshll.u32 s7, $0x1;
	s7 =	sadd.s32 s22, s5  }
0x9f: {  	[timem:s9], [sflag:s23] =	dma.local [hbm:s7], s21  }
0xa0: {  	_ =	swait.ge [sflag:s23], s21  }
0xa1: {  	s6 =	ssub.s32 $0x0, s21;
	[sflag:s23] =	ssyncset.done $0x0  }
0xa2: {  	[sflag:s23] =	ssyncadd.s32 s6;
	_ =	sdelay $0x1  }
0xa3: {  	s24 =	simm.s32 $0x1B8B  }
0xa4: {  	_ =	swait.ge [sflag:s24], $0x1  }
0xa5: {  	[sflag:s24] =	ssyncset.done $0x0  }
0xa6: {  	s25 =	simm.s32 $0x1B8E;
	[sflag:s24] =	ssyncadd.s32 $0xFFFFFFFF  }
0xa7: {  	s26 =	simm.s32 $execute0_lowered;
	[smem:$0x3FD2] =	sst s25  }
0xa8: {  	s6 =	sshll.u32 s26, $0x1;
	_ =	strace $0x80000046;
	[dreg:$0x1] =	wrdreg $0xFFFFFFFF  }
0xa9: {  	s28 =	simm.s32 $_size_execute0_lowered;
	s5 =	sadd.s32 s5, s6;
	[dreg:$0x0] =	wrdreg $0x0  }
0xaa: {  	s6 =	sshll.u32 s28, $0x1;
	[dreg:$0x2] =	wrdreg s5  }
0xab: {  	[dreg:$0x3] =	wrdreg s6  }
0xac: {  	[dreg:$0x4] =	wrdreg $0xC0  }
0xad: {  	_ =	task [dreg:s9], $0x5FFFF  }
0xae: {  	[dreg:$0x1] =	wrdreg $0xFFFFFFFF  }
0xaf: {  	[dreg:$0x0] =	wrdreg $0x60  }
0xb0: {  	[dreg:$0x2] =	wrdreg s2  }
0xb1: {  	[dreg:$0x3] =	wrdreg s19  }
0xb2: {  	[dreg:$0x4] =	wrdreg s4  }
0xb3: {  	[dreg:$0x5] =	wrdreg $0x0  }
0xb4: {  	[dreg:$0x6] =	wrdreg $0x9  }
0xb5: {  	_ =	task.clear_ibuf [dreg:s9], $0x7FFFF;
	_ =	strace $0x90000046  }
0xb6: {  	s29 =	simm.s32 $0x9;
	_ =	strace $0x80000048  }
0xb7: {  	_ =	swait.ge [sflag:s29], $0x1  }
0xb8: {  	[sflag:s29] =	ssyncadd.s32 $0xFFFFFFFF  }
0xb9: {  	_ =	strace $0x90000048  }
0xba: {  	_ =	sfence  }
0xbb: {  	s30 =	sld [smem:$0x0];
	_ =	sdelay $0x2  }
0xbc: {  	s31 =	sshll.u32 s1, $0xD;
	s1 =	sshrl.u32 s1, $0x2  }
0xbd: {  	s3 =	sand.u32 $0x4000, s31;
	s1 =	sadd.s32 s1, s30  }
0xbe: {  	s0 =	sor.u32 s3, s0;
	s1 =	sshll.u32 s1, $0x11  }
0xbf: {  	s0 =	sor.u32 s1, s0  }
0xc0: {  	s0 =	sadd.s32 $0x8F2B, s0  }
0xc1: {  	[sflag:s0] =	ssyncadd.remote.s32 $0x1  }
0xc2: {  	_ =	sfence.sel $0xFFFF  }
0xc3: {  	[dreg:$0x0] =	wrdreg $0xFFFFFFFF;
	(pc) =	sbr.abs _section_cstart, $3  }
0xc4: {  	[dreg:$0x1] =	wrdreg $0xFFFFFFFF  }
0xc5: {  	_ =	task.clear_ibuf [dreg:s9], $0x2FFFF;
	_ =	strace $0x9FFFFFFF  }
0xc6: {  	(tm) =	ssettm $0x7FFFFFFF  }
0xc7: {  	_ =	shalt  }
tec
execute0_lowered:
.L_overlay_start_1:
0x0: {  	(tag) =	ssettag $0x1  }
0x1: {  	s1 =	rddreg [dreg:$0x0]  }
0x2: {  	s0 =	rddreg [dreg:$0x1]  }
0x3: {  	s2 =	rddreg [dreg:$0x2]  }
0x4: {  	s3 =	rddreg [dreg:$0x3];
	s4 =	simm.s32 $0x0;
	s5 =	srdreg.scid  }
0x5: {  	s13 =	stileid.u32;
	s28 =	simm.s32 $0xA;
	s29 =	simm.s32 $0x50  }
0x6: {  	s30 =	simm.s32 $0x16000;
	s31 =	simm.s32 $0x1B000;
	s25 =	smul.u32 $0x4E000, s13  }
0x7: {  	[smem:$0x7FF] =	sst s4;
	s5 =	sand.u32 $0x1, s5;
	s26 =	smul.u32 $0x2700, s13  }
0x8: {  	s6 =	sshll.u32 s13, $0x1;
	s14 =	sshll.u32 s13, $0x6;
	s20 =	smul.u32 $0x4E200, s13  }
0x9: {  	s7 =	ssub.s32 $0x2, s5;
	s8 =	sor.u32 s5, s6;
	s5 =	smul.u32 $0x27100, s5  }
0xa: {  	p0 =	sne.s32 s13, $0xF;
	s13 =	simm.s32 $0x8;
	s10 =	smul.u32 $0x2710, s8  }
0xb: {  	_ =	strace $0x80000047;
	s9 =	sshrl.u32 s7, $0x1;
	s12 =	smul.u32 $0x138800, s8  }
0xc: {  	s6 =	sshrl.u32 s25, $0x2;
	s8 =	smul.u32 $0x27100, s8;
	s7 =	ssub.s32 s7, s9  }
0xd: {  	s11 =	sadd.s32 s6, s3;
	s9 =	sadd.s32 s1, s26;
	s6 =	sor.u32 $0x1C09, s14  }
0xe: {  	s14 =	sadd.s32 $0x27000, s1;
	[dreg:$0x5] =	wrdreg s9;
	s10 =	sshrl.u32 s10, $0x3  }
0xf: {  	s12 =	sshrl.u32 s12, $0x3;
	[dreg:$0x6] =	wrdreg s14;
	s8 =	sadd.s32 s2, s8  }
0x10: {  	s0 =	sadd.s32 s0, s10;
	s15 =	sadd.s32 s2, s12;
	[dreg:$0x8] =	wrdreg s8  }
0x11: {  	s9 =	sadd.s32 $0x138000, s3;
	[dreg:$0x7] =	wrdreg s0;
	s16 =	sadd.s32 $0x500, s15  }
0x12: {  	s14 =	simm.s32 $0x9;
	s17 =	sadd.s32 $0xA00, s15;
	[dreg:$0x9] =	wrdreg s16  }
0x13: {  	s2 =	sadd.s32 s20, s2;
	s18 =	sadd.s32 $0xF00, s15;
	[dreg:$0xa] =	wrdreg s17  }
0x14: {  	s8 =	simm.s32 $0x5;
	s19 =	sadd.s32 $0x1400, s15;
	[dreg:$0xb] =	wrdreg s18  }
0x15: {  	s10 =	simm.s32 $0x6;
	s21 =	sadd.s32 $0x1900, s15;
	[dreg:$0xc] =	wrdreg s19  }
0x16: {  	s12 =	simm.s32 $0x7;
	s22 =	sadd.s32 $0x1E00, s15;
	[dreg:$0xd] =	wrdreg s21  }
0x17: {  	s23 =	sadd.s32 $0x2300, s15;
	s24 =	sadd.s32 $0x25800, s15;
	[dreg:$0xe] =	wrdreg s22  }
0x18: {  	s25 =	sadd.s32 $0x25D00, s15;
	s26 =	sadd.s32 $0x26200, s15;
	[dreg:$0xf] =	wrdreg s23  }
0x19: {  	s2 =	sadd.s32 s5, s2;
	s20 =	sadd.s32 $0x26700, s15;
	[dreg:$0x10] =	wrdreg s24  }
0x1a: {  	s0 =	simm.s32 $0x18800;
	s5 =	simm.s32 $0x1D800;
	[dreg:$0x11] =	wrdreg s25  }
0x1b: {  	[dreg:$0x12] =	wrdreg s26;
	s21 =	sadd.s32 $0x26C00, s15;
	s22 =	smax.u32 s7, $0x1  }
0x1c: {  	s23 =	sadd.s32 $0x2800, s2;
	s24 =	sshrl.u32 s11, $0x3;
	s25 =	sshrl.u32 @!p0 s9, $0x3  }
0x1d: {  	s26 =	simm.s32 $0x13880;
	s2 =	simm.s32 $0x1;
	s7 =	simm.s32 $0x2  }
0x1e: {  	s9 =	simm.s32 $0x3;
	s11 =	simm.s32 $0x4;
	s15 =	simm.s32 $0x0  }
.LBB2_1:
0x1f: {  	s16 =	rddreg [dreg:$0x5]  }
0x20: {  	[spmem:s24], [sflag:s6] =	dma.local [hbm:s16], $0x2700  }
0x21: {  	s16 =	rddreg [dreg:$0x6]  }
0x22: {  	[spmem:s25], [sflag:s6] =	dma.local @!p0 [hbm:s16], $0x100  }
0x23: {  	s16 =	rddreg [dreg:$0x7]  }
0x24: {  	[tilespmem:s26], [sflag:$0xA] =	stream.linear.gather [hbm4b:s16+s4], $0x2710, $0x38;
	v63 =	vld [tilespmem:$0x0]  }
0x25: {  	_ =	swait.ge [sflag:s28], $0x2710  }
0x26: {  	[sflag:s28] =	ssyncset.done $0x0  }
0x27: {  	[sflag:s28] =	ssyncadd.s32 $0xFFFFD8F0  }
0x28: {  	[tilespmem:s30], [sflag:$0x1] =	stream.indirect.gather [hbm4b:s1+s29], $0x80, s26, s29, $0xb8;
	v63 =	vld [tilespmem:$0x0]  }
0x29: {  	s18 =	simm.s32 $0x138D0  }
0x2a: {  	[tilespmem:s0], [sflag:$0x2] =	stream.indirect.gather [hbm4b:s1+s29], $0x80, s18, s29, $0xb8;
	v63 =	vld [tilespmem:$0x0]  }
0x2b: {  	s19 =	simm.s32 $0x13920  }
0x2c: {  	[tilespmem:s31], [sflag:$0x3] =	stream.indirect.gather [hbm4b:s1+s29], $0x80, s19, s29, $0xb8;
	v63 =	vld [tilespmem:$0x0]  }
0x2d: {  	_ =	swait.ge [sflag:s2], $0x2800  }
0x2e: {  	[sflag:s2] =	ssyncset.done $0x0  }
0x2f: {  	s17 =	rddreg [dreg:$0x8];
	[sflag:s2] =	ssyncadd.s32 $0xFFFFD800  }
0x30: {  	[hbm4b:s17+s4] =	stream.linear.scatter [tilespmem:s30], [sflag:$0x5], $0x2800, $0x38;
	v63 =	vld [tilespmem:$0x0]  }
0x31: {  	s18 =	simm.s32 $0x13970  }
0x32: {  	[tilespmem:s5], [sflag:$0x4] =	stream.indirect.gather [hbm4b:s1+s29], $0x80, s18, s29, $0xb8;
	v63 =	vld [tilespmem:$0x0]  }
0x33: {  	_ =	swait.ge [sflag:s7], $0x2800  }
0x34: {  	[sflag:s7] =	ssyncset.done $0x0  }
0x35: {  	s19 =	rddreg [dreg:$0x9];
	[sflag:s7] =	ssyncadd.s32 $0xFFFFD800  }
0x36: {  	[hbm4b:s19+s4] =	stream.linear.scatter [tilespmem:s0], [sflag:$0x6], $0x2800, $0x38;
	v63 =	vld [tilespmem:$0x0]  }
0x37: {  	_ =	swait.ge [sflag:s8], $0x2800  }
0x38: {  	[sflag:s8] =	ssyncset.done $0x0  }
0x39: {  	s17 =	simm.s32 $0x139C0;
	[sflag:s8] =	ssyncadd.s32 $0xFFFFD800  }
0x3a: {  	[tilespmem:s30], [sflag:$0x1] =	stream.indirect.gather [hbm4b:s1+s29], $0x80, s17, s29, $0xb8;
	v63 =	vld [tilespmem:$0x0]  }
0x3b: {  	_ =	swait.ge [sflag:s9], $0x2800  }
0x3c: {  	[sflag:s9] =	ssyncset.done $0x0  }
0x3d: {  	s18 =	rddreg [dreg:$0xa];
	[sflag:s9] =	ssyncadd.s32 $0xFFFFD800  }
0x3e: {  	[hbm4b:s18+s4] =	stream.linear.scatter [tilespmem:s31], [sflag:$0x7], $0x2800, $0x38;
	v63 =	vld [tilespmem:$0x0]  }
0x3f: {  	_ =	swait.ge [sflag:s10], $0x2800  }
0x40: {  	[sflag:s10] =	ssyncset.done $0x0  }
0x41: {  	s19 =	simm.s32 $0x13A10;
	[sflag:s10] =	ssyncadd.s32 $0xFFFFD800  }
0x42: {  	[tilespmem:s0], [sflag:$0x2] =	stream.indirect.gather [hbm4b:s1+s29], $0x80, s19, s29, $0xb8;
	v63 =	vld [tilespmem:$0x0]  }
0x43: {  	_ =	swait.ge [sflag:s11], $0x2800  }
0x44: {  	[sflag:s11] =	ssyncset.done $0x0  }
0x45: {  	s17 =	rddreg [dreg:$0xb];
	[sflag:s11] =	ssyncadd.s32 $0xFFFFD800  }
0x46: {  	[hbm4b:s17+s4] =	stream.linear.scatter [tilespmem:s5], [sflag:$0x8], $0x2800, $0x38;
	v63 =	vld [tilespmem:$0x0]  }
0x47: {  	_ =	swait.ge [sflag:s12], $0x2800  }
0x48: {  	[sflag:s12] =	ssyncset.done $0x0  }
0x49: {  	s18 =	simm.s32 $0x13A60;
	[sflag:s12] =	ssyncadd.s32 $0xFFFFD800  }
0x4a: {  	[tilespmem:s31], [sflag:$0x3] =	stream.indirect.gather [hbm4b:s1+s29], $0x80, s18, s29, $0xb8;
	v63 =	vld [tilespmem:$0x0]  }
0x4b: {  	_ =	swait.ge [sflag:s2], $0x2800  }
0x4c: {  	[sflag:s2] =	ssyncset.done $0x0  }
0x4d: {  	s19 =	rddreg [dreg:$0xc];
	[sflag:s2] =	ssyncadd.s32 $0xFFFFD800  }
0x4e: {  	[hbm4b:s19+s4] =	stream.linear.scatter [tilespmem:s30], [sflag:$0x5], $0x2800, $0x38;
	v63 =	vld [tilespmem:$0x0]  }
0x4f: {  	_ =	swait.ge [sflag:s13], $0x2800  }
0x50: {  	[sflag:s13] =	ssyncset.done $0x0  }
0x51: {  	s17 =	simm.s32 $0x13AB0;
	[sflag:s13] =	ssyncadd.s32 $0xFFFFD800  }
0x52: {  	[tilespmem:s5], [sflag:$0x4] =	stream.indirect.gather [hbm4b:s1+s29], $0x80, s17, s29, $0xb8;
	v63 =	vld [tilespmem:$0x0]  }
0x53: {  	_ =	swait.ge [sflag:s7], $0x2800  }
0x54: {  	[sflag:s7] =	ssyncset.done $0x0  }
0x55: {  	s18 =	rddreg [dreg:$0xd];
	[sflag:s7] =	ssyncadd.s32 $0xFFFFD800  }
0x56: {  	[hbm4b:s18+s4] =	stream.linear.scatter [tilespmem:s0], [sflag:$0x6], $0x2800, $0x38;
	v63 =	vld [tilespmem:$0x0]  }
0x57: {  	_ =	swait.ge [sflag:s14], $0x2700  }
0x58: {  	[sflag:s14] =	ssyncset.done $0x0  }
0x59: {  	s16 =	simm.s32 @!p0 $0x9;
	[sflag:s14] =	ssyncadd.s32 $0xFFFFD900  }
0x5a: {  	_ =	swait.ge @!p0 [sflag:s16], $0x100  }
0x5b: {  	[sflag:s16] =	ssyncset.done @!p0 $0x0  }
0x5c: {  	[sflag:s16] =	ssyncadd.s32 @!p0 $0xFFFFFF00  }
0x5d: {  	[bflag:$0x0] =	sbarrier.arrive $0xFFFF  }
0x5e: {  	_ =	swait.ge [sflag:s8], $0x2800  }
0x5f: {  	[sflag:s8] =	ssyncset.done $0x0  }
0x60: {  	s19 =	simm.s32 $0x13B00;
	[sflag:s8] =	ssyncadd.s32 $0xFFFFD800  }
0x61: {  	[tilespmem:s30], [sflag:$0x1] =	stream.indirect.gather [spmem:s3], $0x80, s19, s29, $0xb8;
	v63 =	vld [tilespmem:$0x0]  }
0x62: {  	_ =	swait.ge [sflag:s9], $0x2800  }
0x63: {  	[sflag:s9] =	ssyncset.done $0x0  }
0x64: {  	s17 =	rddreg [dreg:$0xe];
	[sflag:s9] =	ssyncadd.s32 $0xFFFFD800  }
0x65: {  	[hbm4b:s17+s4] =	stream.linear.scatter [tilespmem:s31], [sflag:$0x7], $0x2800, $0x38;
	v63 =	vld [tilespmem:$0x0]  }
0x66: {  	_ =	swait.ge [sflag:s10], $0x2800  }
0x67: {  	[sflag:s10] =	ssyncset.done $0x0  }
0x68: {  	s18 =	simm.s32 $0x13B50;
	[sflag:s10] =	ssyncadd.s32 $0xFFFFD800  }
0x69: {  	[tilespmem:s0], [sflag:$0x2] =	stream.indirect.gather [spmem:s3], $0x80, s18, s29, $0xb8;
	v63 =	vld [tilespmem:$0x0]  }
0x6a: {  	_ =	swait.ge [sflag:s11], $0x2800  }
0x6b: {  	[sflag:s11] =	ssyncset.done $0x0  }
0x6c: {  	s19 =	rddreg [dreg:$0xf];
	[sflag:s11] =	ssyncadd.s32 $0xFFFFD800  }
0x6d: {  	[hbm4b:s19+s4] =	stream.linear.scatter [tilespmem:s5], [sflag:$0x8], $0x2800, $0x38;
	v63 =	vld [tilespmem:$0x0]  }
0x6e: {  	_ =	swait.ge [sflag:s12], $0x2800  }
0x6f: {  	[sflag:s12] =	ssyncset.done $0x0  }
0x70: {  	s17 =	simm.s32 $0x13BA0;
	[sflag:s12] =	ssyncadd.s32 $0xFFFFD800  }
0x71: {  	[tilespmem:s31], [sflag:$0x3] =	stream.indirect.gather [spmem:s3], $0x80, s17, s29, $0xb8;
	v63 =	vld [tilespmem:$0x0]  }
0x72: {  	_ =	swait.ge [sflag:s2], $0x2800  }
0x73: {  	[sflag:s2] =	ssyncset.done $0x0  }
0x74: {  	[sflag:s2] =	ssyncadd.s32 $0xFFFFD800  }
0x75: {  	[hbm4b:s23+s4] =	stream.linear.scatter [tilespmem:s30], [sflag:$0x5], $0x2800, $0x38;
	v63 =	vld [tilespmem:$0x0]  }
0x76: {  	_ =	swait.ge [sflag:s13], $0x2800  }
0x77: {  	[sflag:s13] =	ssyncset.done $0x0  }
0x78: {  	s18 =	simm.s32 $0x13BF0;
	[sflag:s13] =	ssyncadd.s32 $0xFFFFD800  }
0x79: {  	[tilespmem:s5], [sflag:$0x4] =	stream.indirect.gather [spmem:s3], $0x80, s18, s29, $0xb8;
	v63 =	vld [tilespmem:$0x0]  }
0x7a: {  	_ =	swait.ge [sflag:s7], $0x2800  }
0x7b: {  	[sflag:s7] =	ssyncset.done $0x0  }
0x7c: {  	s19 =	sadd.s32 $0x500, s23;
	[sflag:s7] =	ssyncadd.s32 $0xFFFFD800  }
0x7d: {  	[hbm4b:s19+s4] =	stream.linear.scatter [tilespmem:s0], [sflag:$0x6], $0x2800, $0x38;
	v63 =	vld [tilespmem:$0x0]  }
0x7e: {  	_ =	swait.ge [sflag:s8], $0x2800  }
0x7f: {  	[sflag:s8] =	ssyncset.done $0x0  }
0x80: {  	s17 =	simm.s32 $0x13C40;
	[sflag:s8] =	ssyncadd.s32 $0xFFFFD800  }
0x81: {  	[tilespmem:s30], [sflag:$0x1] =	stream.indirect.gather [spmem:s3], $0x80, s17, s29, $0xb8;
	v63 =	vld [tilespmem:$0x0]  }
0x82: {  	_ =	swait.ge [sflag:s9], $0x2800  }
0x83: {  	[sflag:s9] =	ssyncset.done $0x0  }
0x84: {  	s18 =	sadd.s32 $0xA00, s23;
	[sflag:s9] =	ssyncadd.s32 $0xFFFFD800  }
0x85: {  	[hbm4b:s18+s4] =	stream.linear.scatter [tilespmem:s31], [sflag:$0x7], $0x2800, $0x38;
	v63 =	vld [tilespmem:$0x0]  }
0x86: {  	_ =	swait.ge [sflag:s10], $0x2800  }
0x87: {  	[sflag:s10] =	ssyncset.done $0x0  }
0x88: {  	s19 =	simm.s32 $0x13C90;
	[sflag:s10] =	ssyncadd.s32 $0xFFFFD800  }
0x89: {  	[tilespmem:s0], [sflag:$0x2] =	stream.indirect.gather [spmem:s3], $0x80, s19, s29, $0xb8;
	v63 =	vld [tilespmem:$0x0]  }
0x8a: {  	_ =	swait.ge [sflag:s11], $0x2800  }
0x8b: {  	s16 =	simm.s32 $0x500;
	[sflag:s11] =	ssyncset.done $0x0  }
0x8c: {  	s17 =	sadd.s32 $0x1400, s23;
	s18 =	sadd.s32 $0xF00, s23;
	[sflag:s11] =	ssyncadd.s32 $0xFFFFD800  }
.LBB2_2:
0x8d: {  	[hbm4b:s18+s4] =	stream.linear.scatter [tilespmem:s5], [sflag:$0x8], $0x2800, $0x38;
	v63 =	vld [tilespmem:$0x0]  }
0x8e: {  	s18 =	smov.u32 s16  }
0x8f: {  	p1 =	sne.s32 s16, $0x8700;
	s16 =	sadd.s32 $0x500, s16;
	_ =	swait.ge [sflag:s12], $0x2800  }
0x90: {  	s18 =	sshra.s32 s18, $0x2;
	[sflag:s12] =	ssyncset.done $0x0  }
0x91: {  	s19 =	sadd.s32 $0x13BA0, s18;
	[sflag:s12] =	ssyncadd.s32 $0xFFFFD800  }
0x92: {  	[tilespmem:s31], [sflag:$0x3] =	stream.indirect.gather [spmem:s3], $0x80, s19, s29, $0xb8;
	v63 =	vld [tilespmem:$0x0]  }
0x93: {  	_ =	swait.ge [sflag:s2], $0x2800  }
0x94: {  	[sflag:s2] =	ssyncset.done $0x0  }
0x95: {  	[sflag:s2] =	ssyncadd.s32 $0xFFFFD800  }
0x96: {  	[hbm4b:s17+s4] =	stream.linear.scatter [tilespmem:s30], [sflag:$0x5], $0x2800, $0x38;
	v63 =	vld [tilespmem:$0x0]  }
0x97: {  	_ =	swait.ge [sflag:s13], $0x2800  }
0x98: {  	[sflag:s13] =	ssyncset.done $0x0  }
0x99: {  	s19 =	sadd.s32 $0x13BF0, s18;
	[sflag:s13] =	ssyncadd.s32 $0xFFFFD800  }
0x9a: {  	[tilespmem:s5], [sflag:$0x4] =	stream.indirect.gather [spmem:s3], $0x80, s19, s29, $0xb8;
	v63 =	vld [tilespmem:$0x0]  }
0x9b: {  	_ =	swait.ge [sflag:s7], $0x2800  }
0x9c: {  	[sflag:s7] =	ssyncset.done $0x0  }
0x9d: {  	s19 =	sadd.s32 $0x500, s17;
	[sflag:s7] =	ssyncadd.s32 $0xFFFFD800  }
0x9e: {  	[hbm4b:s19+s4] =	stream.linear.scatter [tilespmem:s0], [sflag:$0x6], $0x2800, $0x38;
	v63 =	vld [tilespmem:$0x0]  }
0x9f: {  	_ =	swait.ge [sflag:s8], $0x2800  }
0xa0: {  	[sflag:s8] =	ssyncset.done $0x0  }
0xa1: {  	s19 =	sadd.s32 $0x13C40, s18;
	[sflag:s8] =	ssyncadd.s32 $0xFFFFD800  }
0xa2: {  	[tilespmem:s30], [sflag:$0x1] =	stream.indirect.gather [spmem:s3], $0x80, s19, s29, $0xb8;
	v63 =	vld [tilespmem:$0x0]  }
0xa3: {  	_ =	swait.ge [sflag:s9], $0x2800  }
0xa4: {  	[sflag:s9] =	ssyncset.done $0x0  }
0xa5: {  	s19 =	sadd.s32 $0xA00, s17;
	[sflag:s9] =	ssyncadd.s32 $0xFFFFD800  }
0xa6: {  	[hbm4b:s19+s4] =	stream.linear.scatter [tilespmem:s31], [sflag:$0x7], $0x2800, $0x38;
	v63 =	vld [tilespmem:$0x0]  }
0xa7: {  	_ =	swait.ge [sflag:s10], $0x2800  }
0xa8: {  	[sflag:s10] =	ssyncset.done $0x0  }
.Ltmp0:
0xa9: {  	s18 =	sadd.s32 $0x13C90, s18;
	[sflag:s10] =	ssyncadd.s32 $0xFFFFD800;
	(pc) =	sbr.rel @p1 .LBB2_2-.Ltmp0, $4  }
0xaa: {  	[tilespmem:s0], [sflag:$0x2] =	stream.indirect.gather [spmem:s3], $0x80, s18, s29, $0xb8;
	v63 =	vld [tilespmem:$0x0]  }
0xab: {  	_ =	swait.ge [sflag:s11], $0x2800  }
0xac: {  	[sflag:s11] =	ssyncset.done $0x0  }
0xad: {  	s18 =	sadd.s32 $0xF00, s17;
	s17 =	sadd.s32 $0x1400, s17;
	[sflag:s11] =	ssyncadd.s32 $0xFFFFD800  }
0xae: {  	[hbm4b:s18+s4] =	stream.linear.scatter [tilespmem:s5], [sflag:$0x8], $0x2800, $0x38;
	v63 =	vld [tilespmem:$0x0]  }
0xaf: {  	_ =	swait.ge [sflag:s12], $0x2800  }
0xb0: {  	[sflag:s12] =	ssyncset.done $0x0  }
0xb1: {  	s16 =	simm.s32 $0x15EA0;
	[sflag:s12] =	ssyncadd.s32 $0xFFFFD800  }
0xb2: {  	[tilespmem:s31], [sflag:$0x3] =	stream.indirect.gather [spmem:s3], $0x80, s16, s29, $0xb8;
	v63 =	vld [tilespmem:$0x0]  }
0xb3: {  	_ =	swait.ge [sflag:s2], $0x2800  }
0xb4: {  	[sflag:s2] =	ssyncset.done $0x0  }
0xb5: {  	s18 =	rddreg [dreg:$0x10];
	[sflag:s2] =	ssyncadd.s32 $0xFFFFD800  }
0xb6: {  	[hbm4b:s18+s4] =	stream.linear.scatter [tilespmem:s30], [sflag:$0x5], $0x2800, $0x38;
	v63 =	vld [tilespmem:$0x0]  }
0xb7: {  	_ =	swait.ge [sflag:s13], $0x2800  }
0xb8: {  	[sflag:s13] =	ssyncset.done $0x0  }
0xb9: {  	s19 =	simm.s32 $0x15EF0;
	[sflag:s13] =	ssyncadd.s32 $0xFFFFD800  }
0xba: {  	[tilespmem:s5], [sflag:$0x4] =	stream.indirect.gather [spmem:s3], $0x80, s19, s29, $0xb8;
	v63 =	vld [tilespmem:$0x0]  }
0xbb: {  	_ =	swait.ge [sflag:s7], $0x2800  }
0xbc: {  	[sflag:s7] =	ssyncset.done $0x0  }
0xbd: {  	s17 =	rddreg [dreg:$0x11];
	[sflag:s7] =	ssyncadd.s32 $0xFFFFD800  }
0xbe: {  	[hbm4b:s17+s4] =	stream.linear.scatter [tilespmem:s0], [sflag:$0x6], $0x2800, $0x38;
	v63 =	vld [tilespmem:$0x0]  }
0xbf: {  	_ =	swait.ge [sflag:s8], $0x2800  }
0xc0: {  	[sflag:s8] =	ssyncset.done $0x0  }
0xc1: {  	s18 =	simm.s32 $0x15F40;
	[sflag:s8] =	ssyncadd.s32 $0xFFFFD800  }
0xc2: {  	[tilespmem:s30], [sflag:$0x1] =	stream.indirect.gather [spmem:s3], $0x80, s18, s29, $0xb8;
	v63 =	vld [tilespmem:$0x0]  }
0xc3: {  	_ =	swait.ge [sflag:s9], $0x2800  }
0xc4: {  	[sflag:s9] =	ssyncset.done $0x0  }
0xc5: {  	s19 =	rddreg [dreg:$0x12];
	[sflag:s9] =	ssyncadd.s32 $0xFFFFD800  }
0xc6: {  	[hbm4b:s19+s4] =	stream.linear.scatter [tilespmem:s31], [sflag:$0x7], $0x2800, $0x38;
	v63 =	vld [tilespmem:$0x0]  }
0xc7: {  	_ =	swait.ge [sflag:s10], $0x2800  }
0xc8: {  	[sflag:s10] =	ssyncset.done $0x0  }
0xc9: {  	[sflag:s10] =	ssyncadd.s32 $0xFFFFD800  }
0xca: {  	_ =	swait.ge [sflag:s11], $0x2800  }
0xcb: {  	[sflag:s11] =	ssyncset.done $0x0  }
0xcc: {  	[sflag:s11] =	ssyncadd.s32 $0xFFFFD800  }
0xcd: {  	[hbm4b:s20+s4] =	stream.linear.scatter [tilespmem:s5], [sflag:$0x8], $0x2800, $0x38;
	v63 =	vld [tilespmem:$0x0]  }
0xce: {  	_ =	swait.ge [sflag:s12], $0x2800  }
0xcf: {  	[sflag:s12] =	ssyncset.done $0x0  }
0xd0: {  	[sflag:s12] =	ssyncadd.s32 $0xFFFFD800  }
0xd1: {  	_ =	swait.ge [sflag:s2], $0x2800  }
0xd2: {  	[sflag:s2] =	ssyncset.done $0x0  }
0xd3: {  	s15 =	sadd.s32 $0x1, s15;
	[sflag:s2] =	ssyncadd.s32 $0xFFFFD800  }
0xd4: {  	[hbm4b:s21+s4] =	stream.linear.scatter [tilespmem:s30], [sflag:$0x5], $0x2800, $0x38;
	v63 =	vld [tilespmem:$0x0]  }
0xd5: {  	p1 =	sne.s32 s15, s22;
	_ =	swait.ge [sflag:s13], $0x2800  }
.Ltmp1:
0xd6: {  	[sflag:s13] =	ssyncset.done $0x0;
	(pc) =	sbr.rel @p1 .LBB2_1-.Ltmp1, $4  }
0xd7: {  	[sflag:s13] =	ssyncadd.s32 $0xFFFFD800  }
0xd8: {  	_ =	swait.ge [sflag:s8], $0x2800  }
0xd9: {  	[sflag:s8] =	ssyncset.done $0x0  }
0xda: {  	[sflag:s8] =	ssyncadd.s32 $0xFFFFD800  }
0xdb: {  	_ =	sfence.sel $0x180000  }
0xdc: {  	[bflag:$0x0] =	sbarrier.arrive $0xFFFF  }
0xdd: {  	_ =	strace $0x90000047  }
0xde: {  	s0 =	stileid.u32;
	[bflag:$0x2] =	sbarrier.arrive $0xFFFF  }
0xdf: {  	p0 =	sne.s32 s0, $0x0;
	s0 =	rddreg [dreg:$0x4]  }
0xe0: {  	s0 =	sadd.s32 @!p0 $0x100000, s0  }
0xe1: {  	[sflag:s0] =	ssyncadd.tile.s32 @!p0 $0x1;
	_ =	shalt  }
.Lfunc_end2:
_tile_overlayer_lowered:
.L_overlay_start_2:
0xe2: {  	(tag) =	ssettag $0x2  }
0xe3: {  	s0 =	rddreg [dreg:$0x0];
	s2 =	stileid.u32  }
0xe4: {  	s1 =	rddreg [dreg:$0x1];
	p0 =	sne.s32 s2, $0x0  }
0xe5: {  	s3 =	rddreg [dreg:$0x2];
	[bflag:$0x3] =	sbarrier.arrive $0xFFFF;
	s2 =	simm.s32 @!p0 $0x1C0A  }
0xe6: {  	[timem:s3], [sflag:s2] =	dma.local @!p0 [hbm:s0], s1  }
0xe7: {  	s0 =	simm.s32 @!p0 $0xA  }
0xe8: {  	_ =	swait.ge @!p0 [sflag:s0], s1  }
0xe9: {  	s1 =	ssub.s32 @!p0 $0x0, s1;
	[sflag:s0] =	ssyncset.done @!p0 $0x0  }
0xea: {  	[sflag:s0] =	ssyncadd.s32 @!p0 s1  }
0xeb: {  	[bflag:$0x3] =	sbarrier.arrive $0xFFFF  }
0xec: {  	_ =	shalt  }

</sc_bundles>
